<compile_context>
chip_gen: v7x
topology: tpu7x:2x2x1
jax: 0.10.2.dev20260603
libtpu: 0.0.44.dev20260713+nightly
codegen_flags: <defaults>
</compile_context>

<pallas_src>
import functools

import jax
import jax.numpy as jnp
from jax import lax
from jax.experimental import pallas as pl
from jax.experimental.pallas import tpu as pltpu
from jax.experimental.pallas import tpu_sc as plsc

N_NODES = 10000
N_EDGES = 320000
D = 128
ED = 16
H = 256

NC = 2
NS = 16
NW = NC * NS
SPLIT = 1

GCH = 128


def _sc_gather_body(table_hbm, idx_hbm, out_hbm,
                    idx_all, rows_a, rows_b,
                    sem_ga, sem_gb, sem_wa, sem_wb):
    c = lax.axis_index("c")
    s = lax.axis_index("s")
    wid = s * NC + c
    n_total = idx_hbm.shape[0]
    per_w = n_total // NW
    base = wid * per_w
    n_pairs = per_w // GCH // 2

    def chunk(j):
        return pl.ds(pl.multiple_of(base + j * GCH, GCH), GCH)

    def idx_at(j):
        return idx_all.at[pl.ds(pl.multiple_of(j * GCH, GCH), GCH)]

    pltpu.sync_copy(idx_hbm.at[pl.ds(pl.multiple_of(base, GCH), per_w)],
                    idx_all)
    pltpu.async_copy(table_hbm.at[idx_at(0)], rows_a, sem_ga)

    @pl.loop(0, n_pairs)
    def _(jj):
        j = jj * 2

        @pl.when(jj > 0)
        def _():
            pltpu.make_async_copy(rows_b, out_hbm.at[chunk(j - 1)], sem_wb).wait()

        pltpu.async_copy(table_hbm.at[idx_at(j + 1)], rows_b, sem_gb)
        pltpu.make_async_copy(table_hbm.at[idx_at(j)], rows_a, sem_ga).wait()
        pltpu.async_copy(rows_a, out_hbm.at[chunk(j)], sem_wa)

        @pl.when(jj < n_pairs - 1)
        def _():
            pltpu.make_async_copy(rows_a, out_hbm.at[chunk(j)], sem_wa).wait()
            pltpu.async_copy(table_hbm.at[idx_at(j + 2)], rows_a, sem_ga)

        pltpu.make_async_copy(table_hbm.at[idx_at(j + 1)], rows_b, sem_gb).wait()
        pltpu.async_copy(rows_b, out_hbm.at[chunk(j + 1)], sem_wb)

    pltpu.make_async_copy(rows_a, out_hbm.at[chunk(0)], sem_wa).wait()
    pltpu.make_async_copy(rows_b, out_hbm.at[chunk(1)], sem_wb).wait()


TW = 64


def _sc_gather(table, idx):
    b = idx.shape[0]
    per_w = b // NW
    mesh = plsc.VectorSubcoreMesh(core_axis_name="c", subcore_axis_name="s")
    return pl.kernel(
        _sc_gather_body,
        out_type=jax.ShapeDtypeStruct((b, TW), jnp.int32),
        mesh=mesh,
        compiler_params=pltpu.CompilerParams(use_tc_tiling_on_sc=False),
        scratch_types=[
            pltpu.VMEM((per_w,), jnp.int32),
            pltpu.VMEM((GCH, TW), jnp.int32),
            pltpu.VMEM((GCH, TW), jnp.int32),
            pltpu.SemaphoreType.DMA,
            pltpu.SemaphoreType.DMA,
            pltpu.SemaphoreType.DMA,
            pltpu.SemaphoreType.DMA,
        ],
    )(table, idx)


SCH = 80
N_PAD = 10240
STRIPE = N_PAD // NS


def _sc_scatter_body(n_edges, msg_hbm, dst_hbm, zeros_hbm, out_hbm,
                     idx_all, rows_a, rows_b, acc_sh, sem_ra, sem_rb):
    c = lax.axis_index("c")
    s = lax.axis_index("s")
    per_core = n_edges // NC
    per_tile = per_core // NS
    base = c * per_core + s * per_tile
    n_chunks = per_tile // SCH
    n_pairs = n_chunks // 2

    stripe = pl.ds(pl.multiple_of(s * STRIPE, 8), STRIPE)

    def chunk(j):
        return pl.ds(pl.multiple_of(base + j * SCH, 8), SCH)

    def idx_at(j):
        return idx_all.at[pl.ds(pl.multiple_of(j * SCH, 8), SCH)]

    pltpu.sync_copy(zeros_hbm, acc_sh.at[stripe])
    pltpu.sync_copy(dst_hbm.at[pl.ds(pl.multiple_of(base, 8), per_tile)],
                    idx_all)
    plsc.subcore_barrier()

    pltpu.async_copy(msg_hbm.at[chunk(0)], rows_a, sem_ra)

    @pl.loop(0, n_pairs)
    def _(jj):
        j = jj * 2
        pltpu.async_copy(msg_hbm.at[chunk(j + 1)], rows_b, sem_rb)
        pltpu.make_async_copy(msg_hbm.at[chunk(j)], rows_a, sem_ra).wait()
        pltpu.sync_copy(rows_a, acc_sh.at[idx_at(j)], add=True)

        @pl.when(j + 2 < n_chunks)
        def _():
            pltpu.async_copy(msg_hbm.at[chunk(j + 2)], rows_a, sem_ra)

        pltpu.make_async_copy(msg_hbm.at[chunk(j + 1)], rows_b, sem_rb).wait()
        pltpu.sync_copy(rows_b, acc_sh.at[idx_at(j + 1)], add=True)

    if n_chunks % 2 == 1:
        j = n_chunks - 1
        pltpu.make_async_copy(msg_hbm.at[chunk(j)], rows_a, sem_ra).wait()
        pltpu.sync_copy(rows_a, acc_sh.at[idx_at(j)], add=True)

    plsc.subcore_barrier()

    pltpu.sync_copy(acc_sh.at[stripe], out_hbm.at[c, stripe])


def _sc_segment_sum(msg, dst_idx, zeros_stripe):
    per_tile = msg.shape[0] // NW
    mesh = plsc.VectorSubcoreMesh(core_axis_name="c", subcore_axis_name="s")
    return pl.kernel(
        functools.partial(_sc_scatter_body, msg.shape[0]),
        out_type=jax.ShapeDtypeStruct((NC, N_PAD, D), jnp.float32),
        mesh=mesh,
        scratch_types=[
            pltpu.VMEM((per_tile,), jnp.int32),
            pltpu.VMEM((SCH, D), jnp.float32),
            pltpu.VMEM((SCH, D), jnp.float32),
            pltpu.VMEM_SHARED((N_PAD, D), jnp.float32),
            pltpu.SemaphoreType.DMA,
            pltpu.SemaphoreType.DMA,
        ],
    )(msg, dst_idx, zeros_stripe)


BLK = 2560


def _unpack_pairs(x_i32):
    f32 = jnp.float32
    bf = jnp.bfloat16
    even = lax.bitcast_convert_type(jnp.left_shift(x_i32, 16), f32).astype(bf)
    odd = lax.bitcast_convert_type(
        jnp.bitwise_and(x_i32, jnp.int32(-65536)), f32).astype(bf)
    return jnp.concatenate([even, odd], axis=1)


def _half_silu(xh):
    return xh * (jnp.tanh(xh) + 1)


def _mlp_body(sd, ef, ew,
              w0sd, w0e, b0, gw1, gb1, ow1, ob1, gw2, gb2, ow2, ob2,
              msg_out):
    f32 = jnp.float32
    bf = jnp.bfloat16
    x = _unpack_pairs(sd[...])
    pre0 = (jnp.dot(x, w0sd[...], preferred_element_type=f32)
            + jnp.dot(ef[...], w0e[...], preferred_element_type=f32)
            + b0[...])
    a1 = _half_silu(pre0.astype(bf))
    g1 = _half_silu((jnp.dot(a1[:, :H], gw1[...], preferred_element_type=f32) + gb1[...]).astype(bf))
    o1 = _half_silu((jnp.dot(a1[:, H:], ow1[...], preferred_element_type=f32) + ob1[...]).astype(bf))
    gh = (jnp.dot(g1, gw2[...], preferred_element_type=f32) + gb2[...]).astype(bf)
    oh = (jnp.dot(o1, ow2[...], preferred_element_type=f32) + ob2[...]).astype(bf)
    prod = (oh * (jnp.tanh(oh) + 1)) * (jnp.tanh(gh) + 1)
    msg_out[...] = prod.astype(f32) * ew[...]


def _edge_mlp(gathered, edge_feat, edge_weight, weights, n_edges, blk_off):
    n_blocks = n_edges // BLK

    def full(w):
        return pl.BlockSpec(w.shape, lambda i: tuple(0 for _ in w.shape))

    w_specs = [full(w) for w in weights]
    return pl.pallas_call(
        _mlp_body,
        grid=(n_blocks,),
        in_specs=[
            pl.BlockSpec((BLK, 2 * TW), lambda i: (i, 0)),
            pl.BlockSpec((BLK, ED), lambda i: (i + blk_off, 0)),
            pl.BlockSpec((BLK, D), lambda i: (i + blk_off, 0)),
            *w_specs,
        ],
        out_specs=pl.BlockSpec((BLK, D), lambda i: (i, 0)),
        out_shape=jax.ShapeDtypeStruct((n_edges, D), jnp.float32),
    )(gathered, edge_feat, edge_weight, *weights)


NBLK = 2000


def _final_body(n_parts, *refs):
    node_feat = refs[0]
    parts = refs[1:1 + n_parts]
    lin_w, lin_b, out = refs[1 + n_parts:]
    agg = parts[0][0]
    for p in parts:
        for j in range(NC):
            if p is parts[0] and j == 0:
                continue
            agg = agg + p[j]
    out[...] = node_feat[...] + jnp.dot(
        agg, lin_w[...], preferred_element_type=jnp.float32) + lin_b[...]


def _final_linear(node_feat, partials_list, lin_w, lin_b):
    n_blocks = N_NODES // NBLK
    part_specs = [pl.BlockSpec((NC, NBLK, D), lambda i: (0, i, 0))
                  for _ in partials_list]
    return pl.pallas_call(
        functools.partial(_final_body, len(partials_list)),
        grid=(n_blocks,),
        in_specs=[
            pl.BlockSpec((NBLK, D), lambda i: (i, 0)),
            *part_specs,
            pl.BlockSpec((D, D), lambda i: (0, 0)),
            pl.BlockSpec((1, D), lambda i: (0, 0)),
        ],
        out_specs=pl.BlockSpec((NBLK, D), lambda i: (i, 0)),
        out_shape=jax.ShapeDtypeStruct((N_NODES, D), jnp.float32),
    )(node_feat, *partials_list, lin_w, lin_b)


def kernel(node_feat, edge_feat, edge_weight, edge_index,
           g_W0, g_b0, g_W1, g_b1, g_W2, g_b2,
           o_W0, o_b0, o_W1, o_b1, o_W2, o_b2,
           lin_W, lin_b):
    bf = jnp.bfloat16
    node_packed = lax.bitcast_convert_type(
        node_feat.astype(bf).reshape(N_NODES, D // 2, 2), jnp.int32)

    w0 = jnp.concatenate([g_W0, o_W0], axis=1)
    w0s, w0d, w0e = w0[:D], w0[D:2 * D], w0[2 * D:]
    w0sd = jnp.concatenate(
        [w0s[0::2], w0d[0::2], w0s[1::2], w0d[1::2]], axis=0)
    b0 = jnp.concatenate([g_b0, o_b0]).reshape(1, 2 * H)
    weights = [w * 0.5 for w in (w0sd, w0e)] + [0.5 * b0]
    weights += [0.5 * g_W1, 0.5 * g_b1.reshape(1, H),
                0.5 * o_W1, 0.5 * o_b1.reshape(1, H),
                0.5 * g_W2, 0.5 * g_b2.reshape(1, D),
                0.5 * o_W2, 0.5 * o_b2.reshape(1, D)]
    weights = [w.astype(bf) if w.shape[0] != 1 else w for w in weights]

    idx32 = edge_index.astype(jnp.int32)
    ef = edge_feat.astype(bf)
    zeros_stripe = jnp.zeros((STRIPE, D), jnp.float32)
    grp = NW * GCH * 2
    part = N_EDGES // SPLIT
    partials_list = []
    for h in range(SPLIT):
        lo = h * part
        idx_h = idx32[:, lo:lo + part].T.reshape(-1)
        b_pad = grp * ((2 * part + grp - 1) // grp)
        idx_pad = jnp.concatenate(
            [idx_h, jnp.zeros((b_pad - 2 * part,), jnp.int32)])
        gathered = _sc_gather(node_packed, idx_pad).reshape(b_pad // 2, 2 * TW)
        msg = _edge_mlp(gathered, ef, edge_weight, weights,
                        part, lo // BLK)
        partials_list.append(
            _sc_segment_sum(msg, idx32[1, lo:lo + part], zeros_stripe))

    return _final_linear(node_feat, partials_list, 0.5 * lin_W,
                         lin_b.reshape(1, D))

# --- scband reference (transcript-rebuilt; emitter-appended) ---
"""Pipeline reference for scband-atom-conv-87978110091587 (READ-ONLY COPY).

The authoritative reference and input builder live on the scoring server;
editing this copy changes nothing except your own understanding.
"""

import jax, jax.numpy as jnp
import numpy as np

N_NODES = 10000
N_EDGES = 320000
NODE_DIM = 128
EDGE_DIM = 16
IN_DIM = 2 * NODE_DIM + EDGE_DIM  # 272
HID = [256, 256]


def _silu(x):
    return x * jax.nn.sigmoid(x)


def _mlp(x, W0, b0, W1, b1, W2, b2):
    # MLPBlock: Linear -> SiLU per hidden layer, final Linear (dropout=0 in eval)
    x = _silu(x @ W0 + b0)
    x = _silu(x @ W1 + b1)
    return x @ W2 + b2


def setup_inputs(seed: int = 0) -> dict:
    key = jax.random.key(seed)
    ks = jax.random.split(key, 20)
    inp = {}
    inp["node_feat"] = jax.random.normal(ks[0], (N_NODES, NODE_DIM), dtype=jnp.float32)
    inp["edge_feat"] = jax.random.normal(ks[1], (N_EDGES, EDGE_DIM), dtype=jnp.float32)
    inp["edge_weight"] = jax.random.uniform(ks[2], (N_EDGES, NODE_DIM), dtype=jnp.float32)
    inp["edge_index"] = jax.random.randint(ks[3], (2, N_EDGES), 0, N_NODES, dtype=jnp.int64 if jax.config.jax_enable_x64 else jnp.int32)
    s = 0.02
    # gateway MLP params
    inp["g_W0"] = jax.random.normal(ks[4], (IN_DIM, HID[0]), dtype=jnp.float32) * s
    inp["g_b0"] = jnp.zeros((HID[0],), dtype=jnp.float32)
    inp["g_W1"] = jax.random.normal(ks[5], (HID[0], HID[1]), dtype=jnp.float32) * s
    inp["g_b1"] = jnp.zeros((HID[1],), dtype=jnp.float32)
    inp["g_W2"] = jax.random.normal(ks[6], (HID[1], NODE_DIM), dtype=jnp.float32) * s
    inp["g_b2"] = jnp.zeros((NODE_DIM,), dtype=jnp.float32)
    # output MLP params
    inp["o_W0"] = jax.random.normal(ks[7], (IN_DIM, HID[0]), dtype=jnp.float32) * s
    inp["o_b0"] = jnp.zeros((HID[0],), dtype=jnp.float32)
    inp["o_W1"] = jax.random.normal(ks[8], (HID[0], HID[1]), dtype=jnp.float32) * s
    inp["o_b1"] = jnp.zeros((HID[1],), dtype=jnp.float32)
    inp["o_W2"] = jax.random.normal(ks[9], (HID[1], NODE_DIM), dtype=jnp.float32) * s
    inp["o_b2"] = jnp.zeros((NODE_DIM,), dtype=jnp.float32)
    # final linear
    inp["lin_W"] = jax.random.normal(ks[10], (NODE_DIM, NODE_DIM), dtype=jnp.float32) * s
    inp["lin_b"] = jnp.zeros((NODE_DIM,), dtype=jnp.float32)
    return inp


def reference(node_feat, edge_feat, edge_weight, edge_index,
              g_W0, g_b0, g_W1, g_b1, g_W2, g_b2,
              o_W0, o_b0, o_W1, o_b1, o_W2, o_b2,
              lin_W, lin_b):
    src_idx = edge_index[0]
    dst_idx = edge_index[1]
    src = jnp.take(node_feat, src_idx, axis=0)
    dst = jnp.take(node_feat, dst_idx, axis=0)
    h = jnp.concatenate([src, dst, edge_feat], axis=1)
    gate = jax.nn.sigmoid(_mlp(h, g_W0, g_b0, g_W1, g_b1, g_W2, g_b2))
    out = _silu(_mlp(h, o_W0, o_b0, o_W1, o_b1, o_W2, o_b2))
    msg = (out * gate) * edge_weight
    agg = jax.ops.segment_sum(msg, dst_idx, num_segments=N_NODES)
    new_feat = agg @ lin_W + lin_b
    # encode_self=True: residual with dst features (node_feat)
    return node_feat + new_feat

if __name__ == "__main__":
    import jax
    _d = setup_inputs()
    print(jax.jit(kernel)(*tuple(_d.values())))

</pallas_src>

<mosaic_0001>
#map = affine_map<(d0, d1) -> (0, 0)>
#map1 = affine_map<(d0, d1) -> (0)>
module attributes {stable_mosaic.version = 14 : i64} {
  func.func @_sc_gather_body(%arg0: i32, %arg1: i32, %arg2: memref<10000x64xi32, #tpu.memory_space<hbm>>, %arg3: memref<647168xi32, #tpu.memory_space<hbm>>, %arg4: memref<647168x64xi32, #tpu.memory_space<hbm>>, %arg5: memref<20224xi32, #tpu.memory_space<vmem>>, %arg6: memref<128x64xi32, #tpu.memory_space<vmem>>, %arg7: memref<128x64xi32, #tpu.memory_space<vmem>>, %arg8: memref<!tpu.dma_semaphore, #tpu.memory_space<semaphore_mem>>, %arg9: memref<!tpu.dma_semaphore, #tpu.memory_space<semaphore_mem>>, %arg10: memref<!tpu.dma_semaphore, #tpu.memory_space<semaphore_mem>>, %arg11: memref<!tpu.dma_semaphore, #tpu.memory_space<semaphore_mem>>) attributes {dimension_semantics = [#tpu.dimension_semantics<core_parallel>, #tpu.dimension_semantics<subcore_parallel>], iteration_bounds = array<i64: 2, 16>, scalar_prefetch = 0 : i64, scratch_operands = 7 : i64, tpu.core_type = #tpu.core_type<sc_vector_subcore>, window_params = [{transform_indices = #map}, {transform_indices = #map1}, {transform_indices = #map}]} {
    %mul3A = arith.constant 2 : i32
    %mul3A_0 = arith.muli %arg1, %mul3A : i32
    %add3A = arith.addi %mul3A_0, %arg0 : i32
    %mul3A_1 = arith.constant 20224 : i32
    %mul3A_2 = arith.muli %add3A, %mul3A_1 : i32
    %multiple_of3A = tpu.assume_multiple %mul3A_2, 128 : i32
    "tpu.region"() ({
      %run_scoped3A = tpu.sem_alloc : memref<!tpu.dma_semaphore, #tpu.memory_space<semaphore_mem>>
      %dma_start3A_25 = tpu.memref_slice %arg3[%multiple_of3A] : memref<647168xi32, #tpu.memory_space<hbm>> -> memref<20224xi32, #tpu.memory_space<hbm>>
      %dma_start3A_26 = tpu.memref_slice %arg3[%multiple_of3A] : memref<647168xi32, #tpu.memory_space<hbm>> -> memref<20224xi32, #tpu.memory_space<hbm>>
      tpu.enqueue_dma source(%dma_start3A_26 : memref<20224xi32, #tpu.memory_space<hbm>>) target(%arg5 : memref<20224xi32, #tpu.memory_space<vmem>>) target_semaphore(%run_scoped3A : memref<!tpu.dma_semaphore, #tpu.memory_space<semaphore_mem>>)
      %dma_wait3A_27 = tpu.memref_slice %arg3[%multiple_of3A] : memref<647168xi32, #tpu.memory_space<hbm>> -> memref<20224xi32, #tpu.memory_space<hbm>>
      %dma_wait3A_28 = tpu.memref_slice %arg3[%multiple_of3A] : memref<647168xi32, #tpu.memory_space<hbm>> -> memref<20224xi32, #tpu.memory_space<hbm>>
      tpu.wait_dma2 semaphore(%run_scoped3A : memref<!tpu.dma_semaphore, #tpu.memory_space<semaphore_mem>>) src(%dma_wait3A_28 : memref<20224xi32, #tpu.memory_space<hbm>>) dst(%arg5 : memref<20224xi32, #tpu.memory_space<vmem>>)
      tpu.yield
    }) : () -> ()
    %multiple_of3A_3 = arith.constant 0 : i32
    %multiple_of3A_4 = tpu.assume_multiple %multiple_of3A_3, 128 : i32
    %dma_start3A = tpu.memref_slice %arg5[%multiple_of3A_4] : memref<20224xi32, #tpu.memory_space<vmem>> -> memref<128xi32, #tpu.memory_space<vmem>>
    %dma_start3A_5 = arith.constant 0 : i32
    %dma_start3A_6 = arith.constant 0 : i32
    %dma_start3A_7 = tpu.memref_slice %arg2[%dma_start3A_5, %dma_start3A_6] : memref<10000x64xi32, #tpu.memory_space<hbm>> -> memref<10000x64xi32, #tpu.memory_space<hbm>>
    tpu.enqueue_indirect_dma source(%dma_start3A_7 : memref<10000x64xi32, #tpu.memory_space<hbm>>) target(%arg6 : memref<128x64xi32, #tpu.memory_space<vmem>>) offsets(%dma_start3A : memref<128xi32, #tpu.memory_space<vmem>>) semaphore(%arg8 : memref<!tpu.dma_semaphore, #tpu.memory_space<semaphore_mem>>)
    %scan3A = arith.constant 0 : i32
    %scan3A_8 = arith.constant 79 : i32
    %scan3A_9 = arith.addi %scan3A, %scan3A_8 : i32
    %scan3A_10 = arith.constant 1 : i32
    scf.for %scan3A_25 = %scan3A to %scan3A_9 step %scan3A_10  : i32 {
      %mul3A_26 = arith.constant 1 : i32
      %mul3A_27 = arith.muli %scan3A_25, %mul3A_26 : i32
      %add3A_28 = arith.constant 0 : i32
      %add3A_29 = arith.addi %add3A_28, %mul3A_27 : i32
      %mul3A_30 = arith.constant 2 : i32
      %mul3A_31 = arith.muli %add3A_29, %mul3A_30 : i32
      %gt3A = arith.constant 0 : i32
      %gt3A_32 = arith.cmpi sgt, %add3A_29, %gt3A : i32
      %convert_element_type3A = arith.extui %gt3A_32 : i1 to i32
      %cond3A = arith.constant 0 : i32
      %cond3A_33 = arith.cmpi ne, %convert_element_type3A, %cond3A : i32
      scf.if %cond3A_33 {
        %sub3A = arith.constant 1 : i32
        %sub3A_81 = arith.subi %mul3A_31, %sub3A : i32
        %mul3A_82 = arith.constant 128 : i32
        %mul3A_83 = arith.muli %sub3A_81, %mul3A_82 : i32
        %add3A_84 = arith.addi %mul3A_2, %mul3A_83 : i32
        %multiple_of3A_85 = tpu.assume_multiple %add3A_84, 128 : i32
        %dma_wait3A_86 = arith.constant 0 : i32
        %dma_wait3A_87 = tpu.memref_slice %arg4[%multiple_of3A_85, %dma_wait3A_86] : memref<647168x64xi32, #tpu.memory_space<hbm>> -> memref<128x64xi32, #tpu.memory_space<hbm>>
        %dma_wait3A_88 = arith.constant 0 : i32
        %dma_wait3A_89 = tpu.memref_slice %arg4[%multiple_of3A_85, %dma_wait3A_88] : memref<647168x64xi32, #tpu.memory_space<hbm>> -> memref<128x64xi32, #tpu.memory_space<hbm>>
        tpu.wait_dma2 semaphore(%arg11 : memref<!tpu.dma_semaphore, #tpu.memory_space<semaphore_mem>>) src(%arg7 : memref<128x64xi32, #tpu.memory_space<vmem>>) dst(%dma_wait3A_89 : memref<128x64xi32, #tpu.memory_space<hbm>>)
      } else {
      }
      %add3A_34 = arith.constant 1 : i32
      %add3A_35 = arith.addi %mul3A_31, %add3A_34 : i32
      %mul3A_36 = arith.constant 128 : i32
      %mul3A_37 = arith.muli %add3A_35, %mul3A_36 : i32
      %multiple_of3A_38 = tpu.assume_multiple %mul3A_37, 128 : i32
      %dma_start3A_39 = tpu.memref_slice %arg5[%multiple_of3A_38] : memref<20224xi32, #tpu.memory_space<vmem>> -> memref<128xi32, #tpu.memory_space<vmem>>
      %dma_start3A_40 = arith.constant 0 : i32
      %dma_start3A_41 = arith.constant 0 : i32
      %dma_start3A_42 = tpu.memref_slice %arg2[%dma_start3A_40, %dma_start3A_41] : memref<10000x64xi32, #tpu.memory_space<hbm>> -> memref<10000x64xi32, #tpu.memory_space<hbm>>
      tpu.enqueue_indirect_dma source(%dma_start3A_42 : memref<10000x64xi32, #tpu.memory_space<hbm>>) target(%arg7 : memref<128x64xi32, #tpu.memory_space<vmem>>) offsets(%dma_start3A_39 : memref<128xi32, #tpu.memory_space<vmem>>) semaphore(%arg9 : memref<!tpu.dma_semaphore, #tpu.memory_space<semaphore_mem>>)
      %mul3A_43 = arith.constant 128 : i32
      %mul3A_44 = arith.muli %mul3A_31, %mul3A_43 : i32
      %multiple_of3A_45 = tpu.assume_multiple %mul3A_44, 128 : i32
      %dma_wait3A_46 = tpu.memref_slice %arg5[%multiple_of3A_45] : memref<20224xi32, #tpu.memory_space<vmem>> -> memref<128xi32, #tpu.memory_space<vmem>>
      %dma_wait3A_47 = arith.constant 0 : i32
      %dma_wait3A_48 = arith.constant 0 : i32
      %dma_wait3A_49 = tpu.memref_slice %arg2[%dma_wait3A_47, %dma_wait3A_48] : memref<10000x64xi32, #tpu.memory_space<hbm>> -> memref<10000x64xi32, #tpu.memory_space<hbm>>
      tpu.wait_indirect_dma semaphore(%arg8 : memref<!tpu.dma_semaphore, #tpu.memory_space<semaphore_mem>>) src(%dma_wait3A_49 : memref<10000x64xi32, #tpu.memory_space<hbm>>) dst(%arg6 : memref<128x64xi32, #tpu.memory_space<vmem>>)
      %mul3A_50 = arith.constant 128 : i32
      %mul3A_51 = arith.muli %mul3A_31, %mul3A_50 : i32
      %add3A_52 = arith.addi %mul3A_2, %mul3A_51 : i32
      %multiple_of3A_53 = tpu.assume_multiple %add3A_52, 128 : i32
      %dma_start3A_54 = arith.constant 0 : i32
      %dma_start3A_55 = tpu.memref_slice %arg4[%multiple_of3A_53, %dma_start3A_54] : memref<647168x64xi32, #tpu.memory_space<hbm>> -> memref<128x64xi32, #tpu.memory_space<hbm>>
      %dma_start3A_56 = arith.constant 0 : i32
      %dma_start3A_57 = tpu.memref_slice %arg4[%multiple_of3A_53, %dma_start3A_56] : memref<647168x64xi32, #tpu.memory_space<hbm>> -> memref<128x64xi32, #tpu.memory_space<hbm>>
      tpu.enqueue_dma source(%arg6 : memref<128x64xi32, #tpu.memory_space<vmem>>) target(%dma_start3A_57 : memref<128x64xi32, #tpu.memory_space<hbm>>) target_semaphore(%arg10 : memref<!tpu.dma_semaphore, #tpu.memory_space<semaphore_mem>>)
      %lt3A = arith.constant 78 : i32
      %lt3A_58 = arith.cmpi slt, %add3A_29, %lt3A : i32
      %convert_element_type3A_59 = arith.extui %lt3A_58 : i1 to i32
      %cond3A_60 = arith.constant 0 : i32
      %cond3A_61 = arith.cmpi ne, %convert_element_type3A_59, %cond3A_60 : i32
      scf.if %cond3A_61 {
        %mul3A_81 = arith.constant 128 : i32
        %mul3A_82 = arith.muli %mul3A_31, %mul3A_81 : i32
        %add3A_83 = arith.addi %mul3A_2, %mul3A_82 : i32
        %multiple_of3A_84 = tpu.assume_multiple %add3A_83, 128 : i32
        %dma_wait3A_85 = arith.constant 0 : i32
        %dma_wait3A_86 = tpu.memref_slice %arg4[%multiple_of3A_84, %dma_wait3A_85] : memref<647168x64xi32, #tpu.memory_space<hbm>> -> memref<128x64xi32, #tpu.memory_space<hbm>>
        %dma_wait3A_87 = arith.constant 0 : i32
        %dma_wait3A_88 = tpu.memref_slice %arg4[%multiple_of3A_84, %dma_wait3A_87] : memref<647168x64xi32, #tpu.memory_space<hbm>> -> memref<128x64xi32, #tpu.memory_space<hbm>>
        tpu.wait_dma2 semaphore(%arg10 : memref<!tpu.dma_semaphore, #tpu.memory_space<semaphore_mem>>) src(%arg6 : memref<128x64xi32, #tpu.memory_space<vmem>>) dst(%dma_wait3A_88 : memref<128x64xi32, #tpu.memory_space<hbm>>)
        %add3A_89 = arith.constant 2 : i32
        %add3A_90 = arith.addi %mul3A_31, %add3A_89 : i32
        %mul3A_91 = arith.constant 128 : i32
        %mul3A_92 = arith.muli %add3A_90, %mul3A_91 : i32
        %multiple_of3A_93 = tpu.assume_multiple %mul3A_92, 128 : i32
        %dma_start3A_94 = tpu.memref_slice %arg5[%multiple_of3A_93] : memref<20224xi32, #tpu.memory_space<vmem>> -> memref<128xi32, #tpu.memory_space<vmem>>
        %dma_start3A_95 = arith.constant 0 : i32
        %dma_start3A_96 = arith.constant 0 : i32
        %dma_start3A_97 = tpu.memref_slice %arg2[%dma_start3A_95, %dma_start3A_96] : memref<10000x64xi32, #tpu.memory_space<hbm>> -> memref<10000x64xi32, #tpu.memory_space<hbm>>
        tpu.enqueue_indirect_dma source(%dma_start3A_97 : memref<10000x64xi32, #tpu.memory_space<hbm>>) target(%arg6 : memref<128x64xi32, #tpu.memory_space<vmem>>) offsets(%dma_start3A_94 : memref<128xi32, #tpu.memory_space<vmem>>) semaphore(%arg8 : memref<!tpu.dma_semaphore, #tpu.memory_space<semaphore_mem>>)
      } else {
      }
      %add3A_62 = arith.constant 1 : i32
      %add3A_63 = arith.addi %mul3A_31, %add3A_62 : i32
      %mul3A_64 = arith.constant 128 : i32
      %mul3A_65 = arith.muli %add3A_63, %mul3A_64 : i32
      %multiple_of3A_66 = tpu.assume_multiple %mul3A_65, 128 : i32
      %dma_wait3A_67 = tpu.memref_slice %arg5[%multiple_of3A_66] : memref<20224xi32, #tpu.memory_space<vmem>> -> memref<128xi32, #tpu.memory_space<vmem>>
      %dma_wait3A_68 = arith.constant 0 : i32
      %dma_wait3A_69 = arith.constant 0 : i32
      %dma_wait3A_70 = tpu.memref_slice %arg2[%dma_wait3A_68, %dma_wait3A_69] : memref<10000x64xi32, #tpu.memory_space<hbm>> -> memref<10000x64xi32, #tpu.memory_space<hbm>>
      tpu.wait_indirect_dma semaphore(%arg9 : memref<!tpu.dma_semaphore, #tpu.memory_space<semaphore_mem>>) src(%dma_wait3A_70 : memref<10000x64xi32, #tpu.memory_space<hbm>>) dst(%arg7 : memref<128x64xi32, #tpu.memory_space<vmem>>)
      %add3A_71 = arith.constant 1 : i32
      %add3A_72 = arith.addi %mul3A_31, %add3A_71 : i32
      %mul3A_73 = arith.constant 128 : i32
      %mul3A_74 = arith.muli %add3A_72, %mul3A_73 : i32
      %add3A_75 = arith.addi %mul3A_2, %mul3A_74 : i32
      %multiple_of3A_76 = tpu.assume_multiple %add3A_75, 128 : i32
      %dma_start3A_77 = arith.constant 0 : i32
      %dma_start3A_78 = tpu.memref_slice %arg4[%multiple_of3A_76, %dma_start3A_77] : memref<647168x64xi32, #tpu.memory_space<hbm>> -> memref<128x64xi32, #tpu.memory_space<hbm>>
      %dma_start3A_79 = arith.constant 0 : i32
      %dma_start3A_80 = tpu.memref_slice %arg4[%multiple_of3A_76, %dma_start3A_79] : memref<647168x64xi32, #tpu.memory_space<hbm>> -> memref<128x64xi32, #tpu.memory_space<hbm>>
      tpu.enqueue_dma source(%arg7 : memref<128x64xi32, #tpu.memory_space<vmem>>) target(%dma_start3A_80 : memref<128x64xi32, #tpu.memory_space<hbm>>) target_semaphore(%arg11 : memref<!tpu.dma_semaphore, #tpu.memory_space<semaphore_mem>>)
    }
    %scan3A_11 = arith.constant 79 : i32
    %add3A_12 = arith.constant 0 : i32
    %add3A_13 = arith.addi %mul3A_2, %add3A_12 : i32
    %multiple_of3A_14 = tpu.assume_multiple %add3A_13, 128 : i32
    %dma_wait3A = arith.constant 0 : i32
    %dma_wait3A_15 = tpu.memref_slice %arg4[%multiple_of3A_14, %dma_wait3A] : memref<647168x64xi32, #tpu.memory_space<hbm>> -> memref<128x64xi32, #tpu.memory_space<hbm>>
    %dma_wait3A_16 = arith.constant 0 : i32
    %dma_wait3A_17 = tpu.memref_slice %arg4[%multiple_of3A_14, %dma_wait3A_16] : memref<647168x64xi32, #tpu.memory_space<hbm>> -> memref<128x64xi32, #tpu.memory_space<hbm>>
    tpu.wait_dma2 semaphore(%arg10 : memref<!tpu.dma_semaphore, #tpu.memory_space<semaphore_mem>>) src(%arg6 : memref<128x64xi32, #tpu.memory_space<vmem>>) dst(%dma_wait3A_17 : memref<128x64xi32, #tpu.memory_space<hbm>>)
    %add3A_18 = arith.constant 128 : i32
    %add3A_19 = arith.addi %mul3A_2, %add3A_18 : i32
    %multiple_of3A_20 = tpu.assume_multiple %add3A_19, 128 : i32
    %dma_wait3A_21 = arith.constant 0 : i32
    %dma_wait3A_22 = tpu.memref_slice %arg4[%multiple_of3A_20, %dma_wait3A_21] : memref<647168x64xi32, #tpu.memory_space<hbm>> -> memref<128x64xi32, #tpu.memory_space<hbm>>
    %dma_wait3A_23 = arith.constant 0 : i32
    %dma_wait3A_24 = tpu.memref_slice %arg4[%multiple_of3A_20, %dma_wait3A_23] : memref<647168x64xi32, #tpu.memory_space<hbm>> -> memref<128x64xi32, #tpu.memory_space<hbm>>
    tpu.wait_dma2 semaphore(%arg11 : memref<!tpu.dma_semaphore, #tpu.memory_space<semaphore_mem>>) src(%arg7 : memref<128x64xi32, #tpu.memory_space<vmem>>) dst(%dma_wait3A_24 : memref<128x64xi32, #tpu.memory_space<hbm>>)
    return
  }
}

#map = affine_map<(d0, d1) -> (0, 0)>
#map1 = affine_map<(d0, d1) -> (0)>
#map2 = affine_map<(d0, d1) -> (0, 0, 0)>
module attributes {stable_mosaic.version = 14 : i64} {
  func.func @_sc_scatter_body(%arg0: i32, %arg1: i32, %arg2: memref<320000x128xf32, #tpu.memory_space<hbm>>, %arg3: memref<320000xi32, #tpu.memory_space<hbm>>, %arg4: memref<640x128xf32, #tpu.memory_space<hbm>>, %arg5: memref<2x10240x128xf32, #tpu.memory_space<hbm>>, %arg6: memref<10000xi32, #tpu.memory_space<vmem>>, %arg7: memref<80x128xf32, #tpu.memory_space<vmem>>, %arg8: memref<80x128xf32, #tpu.memory_space<vmem>>, %arg9: memref<10240x128xf32, #tpu.memory_space<vmem_shared>>, %arg10: memref<!tpu.dma_semaphore, #tpu.memory_space<semaphore_mem>>, %arg11: memref<!tpu.dma_semaphore, #tpu.memory_space<semaphore_mem>>) attributes {dimension_semantics = [#tpu.dimension_semantics<core_parallel>, #tpu.dimension_semantics<subcore_parallel>], iteration_bounds = array<i64: 2, 16>, scalar_prefetch = 0 : i64, scratch_operands = 6 : i64, tpu.core_type = #tpu.core_type<sc_vector_subcore>, window_params = [{transform_indices = #map}, {transform_indices = #map1}, {transform_indices = #map}, {transform_indices = #map2}]} {
    %mul3A = arith.constant 160000 : i32
    %mul3A_0 = arith.muli %arg0, %mul3A : i32
    %mul3A_1 = arith.constant 10000 : i32
    %mul3A_2 = arith.muli %arg1, %mul3A_1 : i32
    %add3A = arith.addi %mul3A_0, %mul3A_2 : i32
    %mul3A_3 = arith.constant 640 : i32
    %mul3A_4 = arith.muli %arg1, %mul3A_3 : i32
    %multiple_of3A = tpu.assume_multiple %mul3A_4, 8 : i32
    "tpu.region"() ({
      %run_scoped3A = tpu.sem_alloc : memref<!tpu.dma_semaphore, #tpu.memory_space<semaphore_mem>>
      %dma_start3A_25 = arith.constant 0 : i32
      %dma_start3A_26 = tpu.memref_slice %arg9[%multiple_of3A, %dma_start3A_25] : memref<10240x128xf32, #tpu.memory_space<vmem_shared>> -> memref<640x128xf32, #tpu.memory_space<vmem_shared>>
      tpu.enqueue_dma source(%arg4 : memref<640x128xf32, #tpu.memory_space<hbm>>) target(%dma_start3A_26 : memref<640x128xf32, #tpu.memory_space<vmem_shared>>) target_semaphore(%run_scoped3A : memref<!tpu.dma_semaphore, #tpu.memory_space<semaphore_mem>>)
      %dma_wait3A_27 = arith.constant 0 : i32
      %dma_wait3A_28 = tpu.memref_slice %arg9[%multiple_of3A, %dma_wait3A_27] : memref<10240x128xf32, #tpu.memory_space<vmem_shared>> -> memref<640x128xf32, #tpu.memory_space<vmem_shared>>
      tpu.wait_dma2 semaphore(%run_scoped3A : memref<!tpu.dma_semaphore, #tpu.memory_space<semaphore_mem>>) src(%arg4 : memref<640x128xf32, #tpu.memory_space<hbm>>) dst(%dma_wait3A_28 : memref<640x128xf32, #tpu.memory_space<vmem_shared>>)
      tpu.yield
    }) : () -> ()
    %multiple_of3A_5 = tpu.assume_multiple %add3A, 8 : i32
    "tpu.region"() ({
      %run_scoped3A = tpu.sem_alloc : memref<!tpu.dma_semaphore, #tpu.memory_space<semaphore_mem>>
      %dma_start3A_25 = tpu.memref_slice %arg3[%multiple_of3A_5] : memref<320000xi32, #tpu.memory_space<hbm>> -> memref<10000xi32, #tpu.memory_space<hbm>>
      %dma_start3A_26 = tpu.memref_slice %arg3[%multiple_of3A_5] : memref<320000xi32, #tpu.memory_space<hbm>> -> memref<10000xi32, #tpu.memory_space<hbm>>
      tpu.enqueue_dma source(%dma_start3A_26 : memref<10000xi32, #tpu.memory_space<hbm>>) target(%arg6 : memref<10000xi32, #tpu.memory_space<vmem>>) target_semaphore(%run_scoped3A : memref<!tpu.dma_semaphore, #tpu.memory_space<semaphore_mem>>)
      %dma_wait3A_27 = tpu.memref_slice %arg3[%multiple_of3A_5] : memref<320000xi32, #tpu.memory_space<hbm>> -> memref<10000xi32, #tpu.memory_space<hbm>>
      %dma_wait3A_28 = tpu.memref_slice %arg3[%multiple_of3A_5] : memref<320000xi32, #tpu.memory_space<hbm>> -> memref<10000xi32, #tpu.memory_space<hbm>>
      tpu.wait_dma2 semaphore(%run_scoped3A : memref<!tpu.dma_semaphore, #tpu.memory_space<semaphore_mem>>) src(%dma_wait3A_28 : memref<10000xi32, #tpu.memory_space<hbm>>) dst(%arg6 : memref<10000xi32, #tpu.memory_space<vmem>>)
      tpu.yield
    }) : () -> ()
    %barrier3A = arith.constant 0 : index
    tpu.barrier barrier_id(%barrier3A)
    %add3A_6 = arith.constant 0 : i32
    %add3A_7 = arith.addi %add3A, %add3A_6 : i32
    %multiple_of3A_8 = tpu.assume_multiple %add3A_7, 8 : i32
    %dma_start3A = arith.constant 0 : i32
    %dma_start3A_9 = tpu.memref_slice %arg2[%multiple_of3A_8, %dma_start3A] : memref<320000x128xf32, #tpu.memory_space<hbm>> -> memref<80x128xf32, #tpu.memory_space<hbm>>
    %dma_start3A_10 = arith.constant 0 : i32
    %dma_start3A_11 = tpu.memref_slice %arg2[%multiple_of3A_8, %dma_start3A_10] : memref<320000x128xf32, #tpu.memory_space<hbm>> -> memref<80x128xf32, #tpu.memory_space<hbm>>
    tpu.enqueue_dma source(%dma_start3A_11 : memref<80x128xf32, #tpu.memory_space<hbm>>) target(%arg7 : memref<80x128xf32, #tpu.memory_space<vmem>>) target_semaphore(%arg10 : memref<!tpu.dma_semaphore, #tpu.memory_space<semaphore_mem>>)
    %scan3A = arith.constant 0 : i32
    %scan3A_12 = arith.constant 62 : i32
    %scan3A_13 = arith.addi %scan3A, %scan3A_12 : i32
    %scan3A_14 = arith.constant 1 : i32
    scf.for %scan3A_25 = %scan3A to %scan3A_13 step %scan3A_14  : i32 {
      %mul3A_26 = arith.constant 1 : i32
      %mul3A_27 = arith.muli %scan3A_25, %mul3A_26 : i32
      %add3A_28 = arith.constant 0 : i32
      %add3A_29 = arith.addi %add3A_28, %mul3A_27 : i32
      %mul3A_30 = arith.constant 2 : i32
      %mul3A_31 = arith.muli %add3A_29, %mul3A_30 : i32
      %add3A_32 = arith.constant 1 : i32
      %add3A_33 = arith.addi %mul3A_31, %add3A_32 : i32
      %mul3A_34 = arith.constant 80 : i32
      %mul3A_35 = arith.muli %add3A_33, %mul3A_34 : i32
      %add3A_36 = arith.addi %add3A, %mul3A_35 : i32
      %multiple_of3A_37 = tpu.assume_multiple %add3A_36, 8 : i32
      %dma_start3A_38 = arith.constant 0 : i32
      %dma_start3A_39 = tpu.memref_slice %arg2[%multiple_of3A_37, %dma_start3A_38] : memref<320000x128xf32, #tpu.memory_space<hbm>> -> memref<80x128xf32, #tpu.memory_space<hbm>>
      %dma_start3A_40 = arith.constant 0 : i32
      %dma_start3A_41 = tpu.memref_slice %arg2[%multiple_of3A_37, %dma_start3A_40] : memref<320000x128xf32, #tpu.memory_space<hbm>> -> memref<80x128xf32, #tpu.memory_space<hbm>>
      tpu.enqueue_dma source(%dma_start3A_41 : memref<80x128xf32, #tpu.memory_space<hbm>>) target(%arg8 : memref<80x128xf32, #tpu.memory_space<vmem>>) target_semaphore(%arg11 : memref<!tpu.dma_semaphore, #tpu.memory_space<semaphore_mem>>)
      %mul3A_42 = arith.constant 80 : i32
      %mul3A_43 = arith.muli %mul3A_31, %mul3A_42 : i32
      %add3A_44 = arith.addi %add3A, %mul3A_43 : i32
      %multiple_of3A_45 = tpu.assume_multiple %add3A_44, 8 : i32
      %dma_wait3A_46 = arith.constant 0 : i32
      %dma_wait3A_47 = tpu.memref_slice %arg2[%multiple_of3A_45, %dma_wait3A_46] : memref<320000x128xf32, #tpu.memory_space<hbm>> -> memref<80x128xf32, #tpu.memory_space<hbm>>
      %dma_wait3A_48 = arith.constant 0 : i32
      %dma_wait3A_49 = tpu.memref_slice %arg2[%multiple_of3A_45, %dma_wait3A_48] : memref<320000x128xf32, #tpu.memory_space<hbm>> -> memref<80x128xf32, #tpu.memory_space<hbm>>
      tpu.wait_dma2 semaphore(%arg10 : memref<!tpu.dma_semaphore, #tpu.memory_space<semaphore_mem>>) src(%dma_wait3A_49 : memref<80x128xf32, #tpu.memory_space<hbm>>) dst(%arg7 : memref<80x128xf32, #tpu.memory_space<vmem>>)
      %mul3A_50 = arith.constant 80 : i32
      %mul3A_51 = arith.muli %mul3A_31, %mul3A_50 : i32
      %multiple_of3A_52 = tpu.assume_multiple %mul3A_51, 8 : i32
      "tpu.region"() ({
        %run_scoped3A = tpu.sem_alloc : memref<!tpu.dma_semaphore, #tpu.memory_space<semaphore_mem>>
        %dma_start3A_72 = tpu.memref_slice %arg6[%multiple_of3A_52] : memref<10000xi32, #tpu.memory_space<vmem>> -> memref<80xi32, #tpu.memory_space<vmem>>
        %dma_start3A_73 = arith.constant 0 : i32
        %dma_start3A_74 = arith.constant 0 : i32
        %dma_start3A_75 = tpu.memref_slice %arg9[%dma_start3A_73, %dma_start3A_74] : memref<10240x128xf32, #tpu.memory_space<vmem_shared>> -> memref<10240x128xf32, #tpu.memory_space<vmem_shared>>
        tpu.enqueue_indirect_dma source(%arg7 : memref<80x128xf32, #tpu.memory_space<vmem>>) target(%dma_start3A_75 : memref<10240x128xf32, #tpu.memory_space<vmem_shared>>) offsets(%dma_start3A_72 : memref<80xi32, #tpu.memory_space<vmem>>) semaphore(%run_scoped3A : memref<!tpu.dma_semaphore, #tpu.memory_space<semaphore_mem>>) {add = true}
        %dma_wait3A_76 = tpu.memref_slice %arg6[%multiple_of3A_52] : memref<10000xi32, #tpu.memory_space<vmem>> -> memref<80xi32, #tpu.memory_space<vmem>>
        %dma_wait3A_77 = arith.constant 0 : i32
        %dma_wait3A_78 = arith.constant 0 : i32
        %dma_wait3A_79 = tpu.memref_slice %arg9[%dma_wait3A_77, %dma_wait3A_78] : memref<10240x128xf32, #tpu.memory_space<vmem_shared>> -> memref<10240x128xf32, #tpu.memory_space<vmem_shared>>
        tpu.wait_indirect_dma semaphore(%run_scoped3A : memref<!tpu.dma_semaphore, #tpu.memory_space<semaphore_mem>>) src(%arg7 : memref<80x128xf32, #tpu.memory_space<vmem>>) dst(%dma_wait3A_79 : memref<10240x128xf32, #tpu.memory_space<vmem_shared>>)
        tpu.yield
      }) : () -> ()
      %add3A_53 = arith.constant 2 : i32
      %add3A_54 = arith.addi %mul3A_31, %add3A_53 : i32
      %lt3A = arith.constant 125 : i32
      %lt3A_55 = arith.cmpi slt, %add3A_54, %lt3A : i32
      %convert_element_type3A = arith.extui %lt3A_55 : i1 to i32
      %cond3A = arith.constant 0 : i32
      %cond3A_56 = arith.cmpi ne, %convert_element_type3A, %cond3A : i32
      scf.if %cond3A_56 {
        %add3A_72 = arith.constant 2 : i32
        %add3A_73 = arith.addi %mul3A_31, %add3A_72 : i32
        %mul3A_74 = arith.constant 80 : i32
        %mul3A_75 = arith.muli %add3A_73, %mul3A_74 : i32
        %add3A_76 = arith.addi %add3A, %mul3A_75 : i32
        %multiple_of3A_77 = tpu.assume_multiple %add3A_76, 8 : i32
        %dma_start3A_78 = arith.constant 0 : i32
        %dma_start3A_79 = tpu.memref_slice %arg2[%multiple_of3A_77, %dma_start3A_78] : memref<320000x128xf32, #tpu.memory_space<hbm>> -> memref<80x128xf32, #tpu.memory_space<hbm>>
        %dma_start3A_80 = arith.constant 0 : i32
        %dma_start3A_81 = tpu.memref_slice %arg2[%multiple_of3A_77, %dma_start3A_80] : memref<320000x128xf32, #tpu.memory_space<hbm>> -> memref<80x128xf32, #tpu.memory_space<hbm>>
        tpu.enqueue_dma source(%dma_start3A_81 : memref<80x128xf32, #tpu.memory_space<hbm>>) target(%arg7 : memref<80x128xf32, #tpu.memory_space<vmem>>) target_semaphore(%arg10 : memref<!tpu.dma_semaphore, #tpu.memory_space<semaphore_mem>>)
      } else {
      }
      %add3A_57 = arith.constant 1 : i32
      %add3A_58 = arith.addi %mul3A_31, %add3A_57 : i32
      %mul3A_59 = arith.constant 80 : i32
      %mul3A_60 = arith.muli %add3A_58, %mul3A_59 : i32
      %add3A_61 = arith.addi %add3A, %mul3A_60 : i32
      %multiple_of3A_62 = tpu.assume_multiple %add3A_61, 8 : i32
      %dma_wait3A_63 = arith.constant 0 : i32
      %dma_wait3A_64 = tpu.memref_slice %arg2[%multiple_of3A_62, %dma_wait3A_63] : memref<320000x128xf32, #tpu.memory_space<hbm>> -> memref<80x128xf32, #tpu.memory_space<hbm>>
      %dma_wait3A_65 = arith.constant 0 : i32
      %dma_wait3A_66 = tpu.memref_slice %arg2[%multiple_of3A_62, %dma_wait3A_65] : memref<320000x128xf32, #tpu.memory_space<hbm>> -> memref<80x128xf32, #tpu.memory_space<hbm>>
      tpu.wait_dma2 semaphore(%arg11 : memref<!tpu.dma_semaphore, #tpu.memory_space<semaphore_mem>>) src(%dma_wait3A_66 : memref<80x128xf32, #tpu.memory_space<hbm>>) dst(%arg8 : memref<80x128xf32, #tpu.memory_space<vmem>>)
      %add3A_67 = arith.constant 1 : i32
      %add3A_68 = arith.addi %mul3A_31, %add3A_67 : i32
      %mul3A_69 = arith.constant 80 : i32
      %mul3A_70 = arith.muli %add3A_68, %mul3A_69 : i32
      %multiple_of3A_71 = tpu.assume_multiple %mul3A_70, 8 : i32
      "tpu.region"() ({
        %run_scoped3A = tpu.sem_alloc : memref<!tpu.dma_semaphore, #tpu.memory_space<semaphore_mem>>
        %dma_start3A_72 = tpu.memref_slice %arg6[%multiple_of3A_71] : memref<10000xi32, #tpu.memory_space<vmem>> -> memref<80xi32, #tpu.memory_space<vmem>>
        %dma_start3A_73 = arith.constant 0 : i32
        %dma_start3A_74 = arith.constant 0 : i32
        %dma_start3A_75 = tpu.memref_slice %arg9[%dma_start3A_73, %dma_start3A_74] : memref<10240x128xf32, #tpu.memory_space<vmem_shared>> -> memref<10240x128xf32, #tpu.memory_space<vmem_shared>>
        tpu.enqueue_indirect_dma source(%arg8 : memref<80x128xf32, #tpu.memory_space<vmem>>) target(%dma_start3A_75 : memref<10240x128xf32, #tpu.memory_space<vmem_shared>>) offsets(%dma_start3A_72 : memref<80xi32, #tpu.memory_space<vmem>>) semaphore(%run_scoped3A : memref<!tpu.dma_semaphore, #tpu.memory_space<semaphore_mem>>) {add = true}
        %dma_wait3A_76 = tpu.memref_slice %arg6[%multiple_of3A_71] : memref<10000xi32, #tpu.memory_space<vmem>> -> memref<80xi32, #tpu.memory_space<vmem>>
        %dma_wait3A_77 = arith.constant 0 : i32
        %dma_wait3A_78 = arith.constant 0 : i32
        %dma_wait3A_79 = tpu.memref_slice %arg9[%dma_wait3A_77, %dma_wait3A_78] : memref<10240x128xf32, #tpu.memory_space<vmem_shared>> -> memref<10240x128xf32, #tpu.memory_space<vmem_shared>>
        tpu.wait_indirect_dma semaphore(%run_scoped3A : memref<!tpu.dma_semaphore, #tpu.memory_space<semaphore_mem>>) src(%arg8 : memref<80x128xf32, #tpu.memory_space<vmem>>) dst(%dma_wait3A_79 : memref<10240x128xf32, #tpu.memory_space<vmem_shared>>)
        tpu.yield
      }) : () -> ()
    }
    %scan3A_15 = arith.constant 62 : i32
    %add3A_16 = arith.constant 9920 : i32
    %add3A_17 = arith.addi %add3A, %add3A_16 : i32
    %multiple_of3A_18 = tpu.assume_multiple %add3A_17, 8 : i32
    %dma_wait3A = arith.constant 0 : i32
    %dma_wait3A_19 = tpu.memref_slice %arg2[%multiple_of3A_18, %dma_wait3A] : memref<320000x128xf32, #tpu.memory_space<hbm>> -> memref<80x128xf32, #tpu.memory_space<hbm>>
    %dma_wait3A_20 = arith.constant 0 : i32
    %dma_wait3A_21 = tpu.memref_slice %arg2[%multiple_of3A_18, %dma_wait3A_20] : memref<320000x128xf32, #tpu.memory_space<hbm>> -> memref<80x128xf32, #tpu.memory_space<hbm>>
    tpu.wait_dma2 semaphore(%arg10 : memref<!tpu.dma_semaphore, #tpu.memory_space<semaphore_mem>>) src(%dma_wait3A_21 : memref<80x128xf32, #tpu.memory_space<hbm>>) dst(%arg7 : memref<80x128xf32, #tpu.memory_space<vmem>>)
    %multiple_of3A_22 = arith.constant 9920 : i32
    %multiple_of3A_23 = tpu.assume_multiple %multiple_of3A_22, 8 : i32
    "tpu.region"() ({
      %run_scoped3A = tpu.sem_alloc : memref<!tpu.dma_semaphore, #tpu.memory_space<semaphore_mem>>
      %dma_start3A_25 = tpu.memref_slice %arg6[%multiple_of3A_23] : memref<10000xi32, #tpu.memory_space<vmem>> -> memref<80xi32, #tpu.memory_space<vmem>>
      %dma_start3A_26 = arith.constant 0 : i32
      %dma_start3A_27 = arith.constant 0 : i32
      %dma_start3A_28 = tpu.memref_slice %arg9[%dma_start3A_26, %dma_start3A_27] : memref<10240x128xf32, #tpu.memory_space<vmem_shared>> -> memref<10240x128xf32, #tpu.memory_space<vmem_shared>>
      tpu.enqueue_indirect_dma source(%arg7 : memref<80x128xf32, #tpu.memory_space<vmem>>) target(%dma_start3A_28 : memref<10240x128xf32, #tpu.memory_space<vmem_shared>>) offsets(%dma_start3A_25 : memref<80xi32, #tpu.memory_space<vmem>>) semaphore(%run_scoped3A : memref<!tpu.dma_semaphore, #tpu.memory_space<semaphore_mem>>) {add = true}
      %dma_wait3A_29 = tpu.memref_slice %arg6[%multiple_of3A_23] : memref<10000xi32, #tpu.memory_space<vmem>> -> memref<80xi32, #tpu.memory_space<vmem>>
      %dma_wait3A_30 = arith.constant 0 : i32
      %dma_wait3A_31 = arith.constant 0 : i32
      %dma_wait3A_32 = tpu.memref_slice %arg9[%dma_wait3A_30, %dma_wait3A_31] : memref<10240x128xf32, #tpu.memory_space<vmem_shared>> -> memref<10240x128xf32, #tpu.memory_space<vmem_shared>>
      tpu.wait_indirect_dma semaphore(%run_scoped3A : memref<!tpu.dma_semaphore, #tpu.memory_space<semaphore_mem>>) src(%arg7 : memref<80x128xf32, #tpu.memory_space<vmem>>) dst(%dma_wait3A_32 : memref<10240x128xf32, #tpu.memory_space<vmem_shared>>)
      tpu.yield
    }) : () -> ()
    %barrier3A_24 = arith.constant 0 : index
    tpu.barrier barrier_id(%barrier3A_24)
    "tpu.region"() ({
      %run_scoped3A = tpu.sem_alloc : memref<!tpu.dma_semaphore, #tpu.memory_space<semaphore_mem>>
      %dma_start3A_25 = arith.constant 0 : i32
      %dma_start3A_26 = tpu.memref_slice %arg5[%arg0, %multiple_of3A, %dma_start3A_25] : memref<2x10240x128xf32, #tpu.memory_space<hbm>> -> memref<1x640x128xf32, #tpu.memory_space<hbm>>
      %dma_start3A_27 = tpu.memref_squeeze %dma_start3A_26 : memref<1x640x128xf32, #tpu.memory_space<hbm>> -> memref<640x128xf32, #tpu.memory_space<hbm>>
      %dma_start3A_28 = arith.constant 0 : i32
      %dma_start3A_29 = tpu.memref_slice %arg9[%multiple_of3A, %dma_start3A_28] : memref<10240x128xf32, #tpu.memory_space<vmem_shared>> -> memref<640x128xf32, #tpu.memory_space<vmem_shared>>
      tpu.enqueue_dma source(%dma_start3A_29 : memref<640x128xf32, #tpu.memory_space<vmem_shared>>) target(%dma_start3A_27 : memref<640x128xf32, #tpu.memory_space<hbm>>) target_semaphore(%run_scoped3A : memref<!tpu.dma_semaphore, #tpu.memory_space<semaphore_mem>>)
      %dma_wait3A_30 = arith.constant 0 : i32
      %dma_wait3A_31 = tpu.memref_slice %arg5[%arg0, %multiple_of3A, %dma_wait3A_30] : memref<2x10240x128xf32, #tpu.memory_space<hbm>> -> memref<1x640x128xf32, #tpu.memory_space<hbm>>
      %dma_wait3A_32 = tpu.memref_squeeze %dma_wait3A_31 : memref<1x640x128xf32, #tpu.memory_space<hbm>> -> memref<640x128xf32, #tpu.memory_space<hbm>>
      %dma_wait3A_33 = arith.constant 0 : i32
      %dma_wait3A_34 = tpu.memref_slice %arg9[%multiple_of3A, %dma_wait3A_33] : memref<10240x128xf32, #tpu.memory_space<vmem_shared>> -> memref<640x128xf32, #tpu.memory_space<vmem_shared>>
      tpu.wait_dma2 semaphore(%run_scoped3A : memref<!tpu.dma_semaphore, #tpu.memory_space<semaphore_mem>>) src(%dma_wait3A_34 : memref<640x128xf32, #tpu.memory_space<vmem_shared>>) dst(%dma_wait3A_32 : memref<640x128xf32, #tpu.memory_space<hbm>>)
      tpu.yield
    }) : () -> ()
    return
  }
}

module attributes {stable_mosaic.version = 14 : i64} {
  func.func @_mlp_body(%arg0: i32, %arg1: memref<2560x128xi32, #tpu.memory_space<vmem>>, %arg2: memref<2560x16xbf16, #tpu.memory_space<vmem>>, %arg3: memref<2560x128xf32, #tpu.memory_space<vmem>>, %arg4: memref<256x512xbf16, #tpu.memory_space<vmem>>, %arg5: memref<16x512xbf16, #tpu.memory_space<vmem>>, %arg6: memref<1x512xf32, #tpu.memory_space<vmem>>, %arg7: memref<256x256xbf16, #tpu.memory_space<vmem>>, %arg8: memref<1x256xf32, #tpu.memory_space<vmem>>, %arg9: memref<256x256xbf16, #tpu.memory_space<vmem>>, %arg10: memref<1x256xf32, #tpu.memory_space<vmem>>, %arg11: memref<256x128xbf16, #tpu.memory_space<vmem>>, %arg12: memref<1x128xf32, #tpu.memory_space<vmem>>, %arg13: memref<256x128xbf16, #tpu.memory_space<vmem>>, %arg14: memref<1x128xf32, #tpu.memory_space<vmem>>, %arg15: memref<2560x128xf32, #tpu.memory_space<vmem>>) attributes {dimension_semantics = [#tpu.dimension_semantics<arbitrary>], iteration_bounds = array<i64: 125>, scalar_prefetch = 0 : i64, scratch_operands = 0 : i64, tpu.core_type = #tpu.core_type<tc>, window_params = [{transform_indices = @transform_0, window_bounds = array<i64: 2560, 128>}, {transform_indices = @transform_1, window_bounds = array<i64: 2560, 16>}, {transform_indices = @transform_2, window_bounds = array<i64: 2560, 128>}, {pipeline_mode = #tpu.pipeline_mode<synchronous>, transform_indices = @transform_3, window_bounds = array<i64: 256, 512>}, {pipeline_mode = #tpu.pipeline_mode<synchronous>, transform_indices = @transform_4, window_bounds = array<i64: 16, 512>}, {pipeline_mode = #tpu.pipeline_mode<synchronous>, transform_indices = @transform_5, window_bounds = array<i64: 1, 512>}, {pipeline_mode = #tpu.pipeline_mode<synchronous>, transform_indices = @transform_6, window_bounds = array<i64: 256, 256>}, {pipeline_mode = #tpu.pipeline_mode<synchronous>, transform_indices = @transform_7, window_bounds = array<i64: 1, 256>}, {pipeline_mode = #tpu.pipeline_mode<synchronous>, transform_indices = @transform_8, window_bounds = array<i64: 256, 256>}, {pipeline_mode = #tpu.pipeline_mode<synchronous>, transform_indices = @transform_9, window_bounds = array<i64: 1, 256>}, {pipeline_mode = #tpu.pipeline_mode<synchronous>, transform_indices = @transform_10, window_bounds = array<i64: 256, 128>}, {pipeline_mode = #tpu.pipeline_mode<synchronous>, transform_indices = @transform_11, window_bounds = array<i64: 1, 128>}, {pipeline_mode = #tpu.pipeline_mode<synchronous>, transform_indices = @transform_12, window_bounds = array<i64: 256, 128>}, {pipeline_mode = #tpu.pipeline_mode<synchronous>, transform_indices = @transform_13, window_bounds = array<i64: 1, 128>}, {transform_indices = @transform_14, window_bounds = array<i64: 2560, 128>}]} {
    %get3A = arith.constant 0 : index
    %get3A_0 = arith.constant 0 : index
    %get3A_1 = vector.load %arg1[%get3A, %get3A_0] : memref<2560x128xi32, #tpu.memory_space<vmem>>, vector<2560x128xi32>
    %shift_left3A = arith.constant 16 : i32
    %shift_left3A_2 = vector.broadcast %shift_left3A : i32 to vector<2560x128xi32>
    %shift_left3A_3 = arith.shli %get3A_1, %shift_left3A_2 : vector<2560x128xi32>
    %bitcast_convert_type3A = tpu.bitcast %shift_left3A_3 : vector<2560x128xi32> -> vector<2560x128xf32>
    %convert_element_type3A = arith.truncf %bitcast_convert_type3A : vector<2560x128xf32> to vector<2560x128xbf16>
    %and3A = arith.constant -65536 : i32
    %and3A_4 = vector.broadcast %and3A : i32 to vector<2560x128xi32>
    %and3A_5 = arith.andi %get3A_1, %and3A_4 : vector<2560x128xi32>
    %bitcast_convert_type3A_6 = tpu.bitcast %and3A_5 : vector<2560x128xi32> -> vector<2560x128xf32>
    %convert_element_type3A_7 = arith.truncf %bitcast_convert_type3A_6 : vector<2560x128xf32> to vector<2560x128xbf16>
    %concatenate3A = tpu.concatenate %convert_element_type3A, %convert_element_type3A_7 in 1 : vector<2560x128xbf16>, vector<2560x128xbf16> -> vector<2560x256xbf16>
    %get3A_8 = arith.constant 0 : index
    %get3A_9 = arith.constant 0 : index
    %get3A_10 = vector.load %arg4[%get3A_8, %get3A_9] : memref<256x512xbf16, #tpu.memory_space<vmem>>, vector<256x512xbf16>
    %dot_general3A = arith.constant dense<0.000000e+00> : vector<2560x512xf32>
    %dot_general3A_11 = tpu.matmul %concatenate3A, %get3A_10, %dot_general3A {dimension_numbers = #tpu.dot_dimension_numbers<[1], [0], [0], [1], [0, 0, 1, 1], [], []>, transpose_lhs_hint = false} : vector<2560x256xbf16>, vector<256x512xbf16>, vector<2560x512xf32> -> vector<2560x512xf32>
    %get3A_12 = arith.constant 0 : index
    %get3A_13 = arith.constant 0 : index
    %get3A_14 = vector.load %arg2[%get3A_12, %get3A_13] : memref<2560x16xbf16, #tpu.memory_space<vmem>>, vector<2560x16xbf16>
    %get3A_15 = arith.constant 0 : index
    %get3A_16 = arith.constant 0 : index
    %get3A_17 = vector.load %arg5[%get3A_15, %get3A_16] : memref<16x512xbf16, #tpu.memory_space<vmem>>, vector<16x512xbf16>
    %dot_general3A_18 = arith.constant dense<0.000000e+00> : vector<2560x512xf32>
    %dot_general3A_19 = tpu.matmul %get3A_14, %get3A_17, %dot_general3A_18 {dimension_numbers = #tpu.dot_dimension_numbers<[1], [0], [0], [1], [0, 0, 1, 1], [], []>, transpose_lhs_hint = false} : vector<2560x16xbf16>, vector<16x512xbf16>, vector<2560x512xf32> -> vector<2560x512xf32>
    %add3A = arith.addf %dot_general3A_11, %dot_general3A_19 : vector<2560x512xf32>
    %get3A_20 = arith.constant 0 : index
    %get3A_21 = arith.constant 0 : index
    %get3A_22 = vector.load %arg6[%get3A_20, %get3A_21] : memref<1x512xf32, #tpu.memory_space<vmem>>, vector<1x512xf32>
    %add3A_23 = vector.broadcast %get3A_22 : vector<1x512xf32> to vector<2560x512xf32>
    %add3A_24 = arith.addf %add3A, %add3A_23 : vector<2560x512xf32>
    %convert_element_type3A_25 = arith.truncf %add3A_24 : vector<2560x512xf32> to vector<2560x512xbf16>
    %tanh3A = math.tanh %convert_element_type3A_25 : vector<2560x512xbf16>
    %add3A_26 = arith.constant 1.000000e+00 : bf16
    %add3A_27 = vector.broadcast %add3A_26 : bf16 to vector<2560x512xbf16>
    %add3A_28 = arith.addf %tanh3A, %add3A_27 : vector<2560x512xbf16>
    %mul3A = arith.mulf %convert_element_type3A_25, %add3A_28 : vector<2560x512xbf16>
    %slice3A = vector.extract_strided_slice %mul3A {offsets = [0, 0], sizes = [2560, 256], strides = [1, 1]} : vector<2560x512xbf16> to vector<2560x256xbf16>
    %get3A_29 = arith.constant 0 : index
    %get3A_30 = arith.constant 0 : index
    %get3A_31 = vector.load %arg7[%get3A_29, %get3A_30] : memref<256x256xbf16, #tpu.memory_space<vmem>>, vector<256x256xbf16>
    %dot_general3A_32 = arith.constant dense<0.000000e+00> : vector<2560x256xf32>
    %dot_general3A_33 = tpu.matmul %slice3A, %get3A_31, %dot_general3A_32 {dimension_numbers = #tpu.dot_dimension_numbers<[1], [0], [0], [1], [0, 0, 1, 1], [], []>, transpose_lhs_hint = false} : vector<2560x256xbf16>, vector<256x256xbf16>, vector<2560x256xf32> -> vector<2560x256xf32>
    %get3A_34 = arith.constant 0 : index
    %get3A_35 = arith.constant 0 : index
    %get3A_36 = vector.load %arg8[%get3A_34, %get3A_35] : memref<1x256xf32, #tpu.memory_space<vmem>>, vector<1x256xf32>
    %add3A_37 = vector.broadcast %get3A_36 : vector<1x256xf32> to vector<2560x256xf32>
    %add3A_38 = arith.addf %dot_general3A_33, %add3A_37 : vector<2560x256xf32>
    %convert_element_type3A_39 = arith.truncf %add3A_38 : vector<2560x256xf32> to vector<2560x256xbf16>
    %tanh3A_40 = math.tanh %convert_element_type3A_39 : vector<2560x256xbf16>
    %add3A_41 = arith.constant 1.000000e+00 : bf16
    %add3A_42 = vector.broadcast %add3A_41 : bf16 to vector<2560x256xbf16>
    %add3A_43 = arith.addf %tanh3A_40, %add3A_42 : vector<2560x256xbf16>
    %mul3A_44 = arith.mulf %convert_element_type3A_39, %add3A_43 : vector<2560x256xbf16>
    %slice3A_45 = vector.extract_strided_slice %mul3A {offsets = [0, 256], sizes = [2560, 256], strides = [1, 1]} : vector<2560x512xbf16> to vector<2560x256xbf16>
    %get3A_46 = arith.constant 0 : index
    %get3A_47 = arith.constant 0 : index
    %get3A_48 = vector.load %arg9[%get3A_46, %get3A_47] : memref<256x256xbf16, #tpu.memory_space<vmem>>, vector<256x256xbf16>
    %dot_general3A_49 = arith.constant dense<0.000000e+00> : vector<2560x256xf32>
    %dot_general3A_50 = tpu.matmul %slice3A_45, %get3A_48, %dot_general3A_49 {dimension_numbers = #tpu.dot_dimension_numbers<[1], [0], [0], [1], [0, 0, 1, 1], [], []>, transpose_lhs_hint = false} : vector<2560x256xbf16>, vector<256x256xbf16>, vector<2560x256xf32> -> vector<2560x256xf32>
    %get3A_51 = arith.constant 0 : index
    %get3A_52 = arith.constant 0 : index
    %get3A_53 = vector.load %arg10[%get3A_51, %get3A_52] : memref<1x256xf32, #tpu.memory_space<vmem>>, vector<1x256xf32>
    %add3A_54 = vector.broadcast %get3A_53 : vector<1x256xf32> to vector<2560x256xf32>
    %add3A_55 = arith.addf %dot_general3A_50, %add3A_54 : vector<2560x256xf32>
    %convert_element_type3A_56 = arith.truncf %add3A_55 : vector<2560x256xf32> to vector<2560x256xbf16>
    %tanh3A_57 = math.tanh %convert_element_type3A_56 : vector<2560x256xbf16>
    %add3A_58 = arith.constant 1.000000e+00 : bf16
    %add3A_59 = vector.broadcast %add3A_58 : bf16 to vector<2560x256xbf16>
    %add3A_60 = arith.addf %tanh3A_57, %add3A_59 : vector<2560x256xbf16>
    %mul3A_61 = arith.mulf %convert_element_type3A_56, %add3A_60 : vector<2560x256xbf16>
    %get3A_62 = arith.constant 0 : index
    %get3A_63 = arith.constant 0 : index
    %get3A_64 = vector.load %arg11[%get3A_62, %get3A_63] : memref<256x128xbf16, #tpu.memory_space<vmem>>, vector<256x128xbf16>
    %dot_general3A_65 = arith.constant dense<0.000000e+00> : vector<2560x128xf32>
    %dot_general3A_66 = tpu.matmul %mul3A_44, %get3A_64, %dot_general3A_65 {dimension_numbers = #tpu.dot_dimension_numbers<[1], [0], [0], [1], [0, 0, 1, 1], [], []>, transpose_lhs_hint = false} : vector<2560x256xbf16>, vector<256x128xbf16>, vector<2560x128xf32> -> vector<2560x128xf32>
    %get3A_67 = arith.constant 0 : index
    %get3A_68 = arith.constant 0 : index
    %get3A_69 = vector.load %arg12[%get3A_67, %get3A_68] : memref<1x128xf32, #tpu.memory_space<vmem>>, vector<1x128xf32>
    %add3A_70 = vector.broadcast %get3A_69 : vector<1x128xf32> to vector<2560x128xf32>
    %add3A_71 = arith.addf %dot_general3A_66, %add3A_70 : vector<2560x128xf32>
    %convert_element_type3A_72 = arith.truncf %add3A_71 : vector<2560x128xf32> to vector<2560x128xbf16>
    %get3A_73 = arith.constant 0 : index
    %get3A_74 = arith.constant 0 : index
    %get3A_75 = vector.load %arg13[%get3A_73, %get3A_74] : memref<256x128xbf16, #tpu.memory_space<vmem>>, vector<256x128xbf16>
    %dot_general3A_76 = arith.constant dense<0.000000e+00> : vector<2560x128xf32>
    %dot_general3A_77 = tpu.matmul %mul3A_61, %get3A_75, %dot_general3A_76 {dimension_numbers = #tpu.dot_dimension_numbers<[1], [0], [0], [1], [0, 0, 1, 1], [], []>, transpose_lhs_hint = false} : vector<2560x256xbf16>, vector<256x128xbf16>, vector<2560x128xf32> -> vector<2560x128xf32>
    %get3A_78 = arith.constant 0 : index
    %get3A_79 = arith.constant 0 : index
    %get3A_80 = vector.load %arg14[%get3A_78, %get3A_79] : memref<1x128xf32, #tpu.memory_space<vmem>>, vector<1x128xf32>
    %add3A_81 = vector.broadcast %get3A_80 : vector<1x128xf32> to vector<2560x128xf32>
    %add3A_82 = arith.addf %dot_general3A_77, %add3A_81 : vector<2560x128xf32>
    %convert_element_type3A_83 = arith.truncf %add3A_82 : vector<2560x128xf32> to vector<2560x128xbf16>
    %tanh3A_84 = math.tanh %convert_element_type3A_83 : vector<2560x128xbf16>
    %add3A_85 = arith.constant 1.000000e+00 : bf16
    %add3A_86 = vector.broadcast %add3A_85 : bf16 to vector<2560x128xbf16>
    %add3A_87 = arith.addf %tanh3A_84, %add3A_86 : vector<2560x128xbf16>
    %mul3A_88 = arith.mulf %convert_element_type3A_83, %add3A_87 : vector<2560x128xbf16>
    %tanh3A_89 = math.tanh %convert_element_type3A_72 : vector<2560x128xbf16>
    %add3A_90 = arith.constant 1.000000e+00 : bf16
    %add3A_91 = vector.broadcast %add3A_90 : bf16 to vector<2560x128xbf16>
    %add3A_92 = arith.addf %tanh3A_89, %add3A_91 : vector<2560x128xbf16>
    %mul3A_93 = arith.mulf %mul3A_88, %add3A_92 : vector<2560x128xbf16>
    %convert_element_type3A_94 = arith.extf %mul3A_93 : vector<2560x128xbf16> to vector<2560x128xf32>
    %get3A_95 = arith.constant 0 : index
    %get3A_96 = arith.constant 0 : index
    %get3A_97 = vector.load %arg3[%get3A_95, %get3A_96] : memref<2560x128xf32, #tpu.memory_space<vmem>>, vector<2560x128xf32>
    %mul3A_98 = arith.mulf %convert_element_type3A_94, %get3A_97 : vector<2560x128xf32>
    %swap3A = arith.constant 0 : index
    %swap3A_99 = arith.constant 0 : index
    %swap3A_100 = vector.load %arg15[%swap3A, %swap3A_99] : memref<2560x128xf32, #tpu.memory_space<vmem>>, vector<2560x128xf32>
    tpu.vector_store %arg15[%swap3A, %swap3A_99], %mul3A_98 {strides = array<i32>} : memref<2560x128xf32, #tpu.memory_space<vmem>>, vector<2560x128xf32>,
    return
  }
  func.func @transform_0(%arg0: i32) -> (i32, i32) {
    %c0_i32 = arith.constant 0 : i32
    %c0_i32_0 = arith.constant 0 : i32
    return %arg0, %c0_i32 : i32, i32
  }
  func.func @transform_1(%arg0: i32) -> (i32, i32) {
    %add3A = arith.constant 0 : i32
    %add3A_0 = arith.addi %arg0, %add3A : i32
    %c0_i32 = arith.constant 0 : i32
    %c0_i32_1 = arith.constant 0 : i32
    return %add3A_0, %c0_i32 : i32, i32
  }
  func.func @transform_2(%arg0: i32) -> (i32, i32) {
    %add3A = arith.constant 0 : i32
    %add3A_0 = arith.addi %arg0, %add3A : i32
    %c0_i32 = arith.constant 0 : i32
    %c0_i32_1 = arith.constant 0 : i32
    return %add3A_0, %c0_i32 : i32, i32
  }
  func.func @transform_3(%arg0: i32) -> (i32, i32) {
    %c0_i32 = arith.constant 0 : i32
    %c0_i32_0 = arith.constant 0 : i32
    %c0_i32_1 = arith.constant 0 : i32
    return %c0_i32, %c0_i32_0 : i32, i32
  }
  func.func @transform_4(%arg0: i32) -> (i32, i32) {
    %c0_i32 = arith.constant 0 : i32
    %c0_i32_0 = arith.constant 0 : i32
    %c0_i32_1 = arith.constant 0 : i32
    return %c0_i32, %c0_i32_0 : i32, i32
  }
  func.func @transform_5(%arg0: i32) -> (i32, i32) {
    %c0_i32 = arith.constant 0 : i32
    %c0_i32_0 = arith.constant 0 : i32
    %c0_i32_1 = arith.constant 0 : i32
    return %c0_i32, %c0_i32_0 : i32, i32
  }
  func.func @transform_6(%arg0: i32) -> (i32, i32) {
    %c0_i32 = arith.constant 0 : i32
    %c0_i32_0 = arith.constant 0 : i32
    %c0_i32_1 = arith.constant 0 : i32
    return %c0_i32, %c0_i32_0 : i32, i32
  }
  func.func @transform_7(%arg0: i32) -> (i32, i32) {
    %c0_i32 = arith.constant 0 : i32
    %c0_i32_0 = arith.constant 0 : i32
    %c0_i32_1 = arith.constant 0 : i32
    return %c0_i32, %c0_i32_0 : i32, i32
  }
  func.func @transform_8(%arg0: i32) -> (i32, i32) {
    %c0_i32 = arith.constant 0 : i32
    %c0_i32_0 = arith.constant 0 : i32
    %c0_i32_1 = arith.constant 0 : i32
    return %c0_i32, %c0_i32_0 : i32, i32
  }
  func.func @transform_9(%arg0: i32) -> (i32, i32) {
    %c0_i32 = arith.constant 0 : i32
    %c0_i32_0 = arith.constant 0 : i32
    %c0_i32_1 = arith.constant 0 : i32
    return %c0_i32, %c0_i32_0 : i32, i32
  }
  func.func @transform_10(%arg0: i32) -> (i32, i32) {
    %c0_i32 = arith.constant 0 : i32
    %c0_i32_0 = arith.constant 0 : i32
    %c0_i32_1 = arith.constant 0 : i32
    return %c0_i32, %c0_i32_0 : i32, i32
  }
  func.func @transform_11(%arg0: i32) -> (i32, i32) {
    %c0_i32 = arith.constant 0 : i32
    %c0_i32_0 = arith.constant 0 : i32
    %c0_i32_1 = arith.constant 0 : i32
    return %c0_i32, %c0_i32_0 : i32, i32
  }
  func.func @transform_12(%arg0: i32) -> (i32, i32) {
    %c0_i32 = arith.constant 0 : i32
    %c0_i32_0 = arith.constant 0 : i32
    %c0_i32_1 = arith.constant 0 : i32
    return %c0_i32, %c0_i32_0 : i32, i32
  }
  func.func @transform_13(%arg0: i32) -> (i32, i32) {
    %c0_i32 = arith.constant 0 : i32
    %c0_i32_0 = arith.constant 0 : i32
    %c0_i32_1 = arith.constant 0 : i32
    return %c0_i32, %c0_i32_0 : i32, i32
  }
  func.func @transform_14(%arg0: i32) -> (i32, i32) {
    %c0_i32 = arith.constant 0 : i32
    %c0_i32_0 = arith.constant 0 : i32
    return %arg0, %c0_i32 : i32, i32
  }
}

module attributes {stable_mosaic.version = 14 : i64} {
  func.func @_final_body(%arg0: i32, %arg1: memref<2000x128xf32, #tpu.memory_space<vmem>>, %arg2: memref<2x2000x128xf32, #tpu.memory_space<vmem>>, %arg3: memref<128x128xf32, #tpu.memory_space<vmem>>, %arg4: memref<1x128xf32, #tpu.memory_space<vmem>>, %arg5: memref<2000x128xf32, #tpu.memory_space<vmem>>) attributes {dimension_semantics = [#tpu.dimension_semantics<arbitrary>], iteration_bounds = array<i64: 5>, scalar_prefetch = 0 : i64, scratch_operands = 0 : i64, tpu.core_type = #tpu.core_type<tc>, window_params = [{transform_indices = @transform_0, window_bounds = array<i64: 2000, 128>}, {transform_indices = @transform_1, window_bounds = array<i64: 2, 2000, 128>}, {pipeline_mode = #tpu.pipeline_mode<synchronous>, transform_indices = @transform_2, window_bounds = array<i64: 128, 128>}, {pipeline_mode = #tpu.pipeline_mode<synchronous>, transform_indices = @transform_3, window_bounds = array<i64: 1, 128>}, {transform_indices = @transform_4, window_bounds = array<i64: 2000, 128>}]} {
    %get3A = arith.constant 0 : index
    %get3A_0 = arith.constant 0 : index
    %get3A_1 = arith.constant 0 : index
    %get3A_2 = vector.load %arg2[%get3A, %get3A_0, %get3A_1] : memref<2x2000x128xf32, #tpu.memory_space<vmem>>, vector<1x2000x128xf32>
    %get3A_3 = vector.shape_cast %get3A_2 : vector<1x2000x128xf32> to vector<2000x128xf32>
    %get3A_4 = arith.constant 1 : index
    %get3A_5 = arith.constant 0 : index
    %get3A_6 = arith.constant 0 : index
    %get3A_7 = vector.load %arg2[%get3A_4, %get3A_5, %get3A_6] : memref<2x2000x128xf32, #tpu.memory_space<vmem>>, vector<1x2000x128xf32>
    %get3A_8 = vector.shape_cast %get3A_7 : vector<1x2000x128xf32> to vector<2000x128xf32>
    %add3A = arith.addf %get3A_3, %get3A_8 : vector<2000x128xf32>
    %get3A_9 = arith.constant 0 : index
    %get3A_10 = arith.constant 0 : index
    %get3A_11 = vector.load %arg1[%get3A_9, %get3A_10] : memref<2000x128xf32, #tpu.memory_space<vmem>>, vector<2000x128xf32>
    %get3A_12 = arith.constant 0 : index
    %get3A_13 = arith.constant 0 : index
    %get3A_14 = vector.load %arg3[%get3A_12, %get3A_13] : memref<128x128xf32, #tpu.memory_space<vmem>>, vector<128x128xf32>
    %dot_general3A = arith.constant dense<0.000000e+00> : vector<2000x128xf32>
    %dot_general3A_15 = tpu.matmul %add3A, %get3A_14, %dot_general3A {dimension_numbers = #tpu.dot_dimension_numbers<[1], [0], [0], [1], [0, 0, 1, 1], [], []>, transpose_lhs_hint = false} : vector<2000x128xf32>, vector<128x128xf32>, vector<2000x128xf32> -> vector<2000x128xf32>
    %add3A_16 = arith.addf %get3A_11, %dot_general3A_15 : vector<2000x128xf32>
    %get3A_17 = arith.constant 0 : index
    %get3A_18 = arith.constant 0 : index
    %get3A_19 = vector.load %arg4[%get3A_17, %get3A_18] : memref<1x128xf32, #tpu.memory_space<vmem>>, vector<1x128xf32>
    %add3A_20 = vector.broadcast %get3A_19 : vector<1x128xf32> to vector<2000x128xf32>
    %add3A_21 = arith.addf %add3A_16, %add3A_20 : vector<2000x128xf32>
    %swap3A = arith.constant 0 : index
    %swap3A_22 = arith.constant 0 : index
    %swap3A_23 = vector.load %arg5[%swap3A, %swap3A_22] : memref<2000x128xf32, #tpu.memory_space<vmem>>, vector<2000x128xf32>
    tpu.vector_store %arg5[%swap3A, %swap3A_22], %add3A_21 {strides = array<i32>} : memref<2000x128xf32, #tpu.memory_space<vmem>>, vector<2000x128xf32>,
    return
  }
  func.func @transform_0(%arg0: i32) -> (i32, i32) {
    %c0_i32 = arith.constant 0 : i32
    %c0_i32_0 = arith.constant 0 : i32
    return %arg0, %c0_i32 : i32, i32
  }
  func.func @transform_1(%arg0: i32) -> (i32, i32, i32) {
    %c0_i32 = arith.constant 0 : i32
    %c0_i32_0 = arith.constant 0 : i32
    %c0_i32_1 = arith.constant 0 : i32
    return %c0_i32, %arg0, %c0_i32_0 : i32, i32, i32
  }
  func.func @transform_2(%arg0: i32) -> (i32, i32) {
    %c0_i32 = arith.constant 0 : i32
    %c0_i32_0 = arith.constant 0 : i32
    %c0_i32_1 = arith.constant 0 : i32
    return %c0_i32, %c0_i32_0 : i32, i32
  }
  func.func @transform_3(%arg0: i32) -> (i32, i32) {
    %c0_i32 = arith.constant 0 : i32
    %c0_i32_0 = arith.constant 0 : i32
    %c0_i32_1 = arith.constant 0 : i32
    return %c0_i32, %c0_i32_0 : i32, i32
  }
  func.func @transform_4(%arg0: i32) -> (i32, i32) {
    %c0_i32 = arith.constant 0 : i32
    %c0_i32_0 = arith.constant 0 : i32
    return %arg0, %c0_i32 : i32, i32
  }
}

</mosaic_0001>

<sc_bundles>
// kernel: kernel.6.cloned.1.call-start
scs
__scs_entry_jumppad:
0x0: {  	(pc) =	sbr.rel $0x88, $3  }
0x1: {  	(tag) =	ssettag $0x0;
	lr =	simm.s32 $0x1  }
0x2: {  	[smem:$0x3F8F] =	sst lr;
	_ =	strace $0xD0000000  }
0x3: {  	_ = 	snop  }
0x4: {  	_ = 	snop  }
0x5: {  	_ = 	snop  }
0x6: {  	_ = 	snop  }
0x7: {  	_ = 	snop  }
__scs_overlays_trampoline_lowered:
0x8: {  	[smem:$0x3F9E] =	sst s0  }
0x9: {  	[smem:$0x3F9F] =	sst s1  }
0xa: {  	[smem:$0x3FA0] =	sst s2  }
0xb: {  	[smem:$0x3FA1] =	sst s3  }
0xc: {  	[smem:$0x3FA2] =	sst s4  }
0xd: {  	[smem:$0x3FA3] =	sst s5  }
0xe: {  	[smem:$0x3FA4] =	sst s6  }
0xf: {  	[smem:$0x3FA5] =	sst s7  }
0x10: {  	[smem:$0x3FA6] =	sst s8  }
0x11: {  	[smem:$0x3FA7] =	sst s9;
	s0 =	simm.s32 @!p0 $0x0  }
0x12: {  	s1 =	sld [smem:$0x3F8D];
	s0 =	simm.s32 @p0 $0x1  }
0x13: {  	[smem:$0x3FA8] =	sst s0;
	s0 =	simm.s32 @!p1 $0x0  }
0x14: {  	s2 =	sld [smem:$0x3F8C];
	s0 =	simm.s32 @p1 $0x1  }
0x15: {  	[smem:$0x3FA9] =	sst s0;
	s0 =	simm.s32 @!p2 $0x0  }
0x16: {  	s3 =	sld [smem:$0x3FDB];
	s0 =	simm.s32 @p2 $0x1  }
0x17: {  	s4 =	simm.s32 $0x1BF5;
	[smem:$0x3FAB] =	sst s0  }
0x18: {  	s0 =	sld [smem:$0x3F8E];
	_ =	swait.ge [sflag:s4], $0x0  }
0x19: {  	s7 =	sld [smem:$0x3F8F]  }
0x1a: {  	s8 =	sadd.s32 $0xFFFFE003, lr  }
0x1b: {  	s9 =	sadd.s32 $0xFFFFFEF7, lr;
	s5 =	simm.s32 $0xFFFFFFFF;
	p2 =	slt.u32 s8, $0xFFFFF086  }
0x1c: {  	p1 =	slt.u32 s9, $0xF7A;
	s5 =	simm.s32 @!p2 $0x0  }
0x1d: {  	s5 =	simm.s32 @p1 $0x1;
	p0 =	seq.s32 s7, s2  }
0x1e: {  	s7 =	smul.u32 @!p0 $0xF7A, s2;
	p2 =	seq.s32 @!p0 s5, $0x0  }
0x1f: {  	s9 =	smul.u32 $0xF7A, s1;
	s8 =	simm.s32 @!p0 $0x1BF5;
	p2 =	por !p2, p0  }
0x20: {  	[sflag:s8] =	ssyncset.s32 @!p0 $0xFFFFF086;
	s6 =	sadd.s32 @!p0 s3, s7;
	s7 =	simm.s32 @!p0 $0x108  }
0x21: {  	s3 =	sadd.s32 s3, s9;
	s6 =	sadd.s32 @!p0 $0x88, s6;
	s7 =	simm.s32 @p2 $0x1082  }
0x22: {  	[simem:s7], [sflag:s8] =	dma.local @!p0 [hbm:s6], $0xF7A  }
0x23: {  	s9 =	sor.u32 $0xD0000000, s2;
	s6 =	simm.s32 $0x108;
	_ =	swait.ge @!p0 [sflag:s8], $0x0  }
0x24: {  	s3 =	sadd.s32 $0x88, s3;
	s6 =	simm.s32 @!p1 $0x1082;
	[sflag:s4] =	ssyncset.s32 $0xFFFFF086  }
0x25: {  	[simem:s6], [sflag:s4] =	dma.local [hbm:s3], $0xF7A  }
0x26: {  	[smem:$0x3F8F] =	sst s1;
	(tag) =	ssettag s2;
	_ =	strace s9  }
0x27: {  	s1 =	sld [smem:$0x3F9F]  }
0x28: {  	s2 =	sld [smem:$0x3FA0]  }
0x29: {  	s4 =	sld [smem:$0x3FA2]  }
0x2a: {  	p0 =	seq.s32 s5, $0x0;
	s5 =	sld [smem:$0x3FA3]  }
0x2b: {  	s6 =	sld [smem:$0x3FA4]  }
0x2c: {  	s7 =	sld [smem:$0x3FA5]  }
0x2d: {  	s3 =	simm.s32 $0x108;
	s8 =	sld [smem:$0x3FA6]  }
0x2e: {  	s3 =	simm.s32 @!p0 $0x1082;
	s9 =	sld [smem:$0x3FA7]  }
0x2f: {  	lr =	sadd.s32 s0, s3;
	s0 =	sld [smem:$0x3F9E]  }
0x30: {  	s3 =	sld [smem:$0x3FA1]  }
0x31: {  	[smem:$0x3FAA] =	sst s10  }
0x32: {  	s10 =	sld [smem:$0x3FA8];
	_ =	sdelay $0x3  }
0x33: {  	p0 =	seq.s32 s10, $0x1;
	s10 =	sld [smem:$0x3FAA];
	_ =	sdelay $0x3  }
0x34: {  	[smem:$0x3FAA] =	sst s10  }
0x35: {  	s10 =	sld [smem:$0x3FA9];
	_ =	sdelay $0x3  }
0x36: {  	p1 =	seq.s32 s10, $0x1;
	s10 =	sld [smem:$0x3FAA];
	_ =	sdelay $0x3  }
0x37: {  	[smem:$0x3FAA] =	sst s10  }
0x38: {  	s10 =	sld [smem:$0x3FAB]  }
0x39: {  	_ = 	snop;
	(pc) =	sbr.ind lr, $3  }
0x3a: {  	_ = 	snop  }
0x3b: {  	_ = 	snop  }
0x3c: {  	p2 =	seq.s32 s10, $0x1;
	s10 =	sld [smem:$0x3FAA]  }
0x3d: {  	_ =	shalt  }
0x3e: {  	_ =	shalt  }
0x3f: {  	_ =	shalt  }
0x40: {  	_ =	shalt  }
0x41: {  	_ =	shalt  }
0x42: {  	_ =	shalt  }
0x43: {  	_ =	shalt  }
0x44: {  	_ =	shalt  }
0x45: {  	_ =	shalt  }
0x46: {  	_ =	shalt  }
0x47: {  	_ =	shalt  }
0x48: {  	_ =	shalt  }
0x49: {  	_ =	shalt  }
0x4a: {  	_ =	shalt  }
0x4b: {  	_ =	shalt  }
0x4c: {  	_ =	shalt  }
0x4d: {  	_ =	shalt  }
0x4e: {  	_ =	shalt  }
0x4f: {  	_ =	shalt  }
0x50: {  	_ =	shalt  }
0x51: {  	_ =	shalt  }
0x52: {  	_ =	shalt  }
0x53: {  	_ =	shalt  }
0x54: {  	_ =	shalt  }
0x55: {  	_ =	shalt  }
0x56: {  	_ =	shalt  }
0x57: {  	_ =	shalt  }
0x58: {  	_ =	shalt  }
0x59: {  	_ =	shalt  }
0x5a: {  	_ =	shalt  }
0x5b: {  	_ =	shalt  }
0x5c: {  	_ =	shalt  }
0x5d: {  	_ =	shalt  }
0x5e: {  	_ =	shalt  }
0x5f: {  	_ =	shalt  }
0x60: {  	_ =	shalt  }
0x61: {  	_ =	shalt  }
0x62: {  	_ =	shalt  }
0x63: {  	_ =	shalt  }
0x64: {  	_ =	shalt  }
0x65: {  	_ =	shalt  }
0x66: {  	_ =	shalt  }
0x67: {  	_ =	shalt  }
0x68: {  	_ =	shalt  }
0x69: {  	_ =	shalt  }
0x6a: {  	_ =	shalt  }
0x6b: {  	_ =	shalt  }
0x6c: {  	_ =	shalt  }
0x6d: {  	_ =	shalt  }
0x6e: {  	_ =	shalt  }
0x6f: {  	_ =	shalt  }
0x70: {  	_ =	shalt  }
0x71: {  	_ =	shalt  }
0x72: {  	_ =	shalt  }
0x73: {  	_ =	shalt  }
0x74: {  	_ =	shalt  }
0x75: {  	_ =	shalt  }
0x76: {  	_ =	shalt  }
0x77: {  	_ =	shalt  }
0x78: {  	_ =	shalt  }
0x79: {  	_ =	shalt  }
0x7a: {  	_ =	shalt  }
0x7b: {  	_ =	shalt  }
0x7c: {  	_ =	shalt  }
0x7d: {  	_ =	shalt  }
0x7e: {  	_ =	shalt  }
0x7f: {  	_ =	shalt  }
0x80: {  	_ =	shalt  }
0x81: {  	_ =	shalt  }
0x82: {  	_ =	shalt  }
0x83: {  	_ =	shalt  }
0x84: {  	_ =	shalt  }
0x85: {  	_ =	shalt  }
0x86: {  	_ =	shalt  }
0x87: {  	_ =	shalt  }
.Lfunc_end0:
.L_simem_size_0:
called_computation_lowered:
.L_overlay_start_0:
0x88: {  	s2 =	sld [smem:$0x3FD9]  }
0x89: {  	s3 =	sld [smem:$0x3FFE];
	_ =	sdelay $0x1  }
0x8a: {  	s1 =	srdreg.scid  }
0x8b: {  	s0 =	sand.u32 $0x1, s1  }
0x8c: {  	s17 =	sshll.u32 s0, $0xA;
	s2 =	sadd.s32 s3, s2  }
0x8d: {  	s2 =	sadd.s32 s2, s17  }
0x8e: {  	[smem:$0x3FB6] =	sst s2  }
0x8f: {  	_ = 	snop  }
0x90: {  	s2 =	sld [smem:$0x3FD0];
	(tm) =	ssettm $0x1  }
0x91: {  	s18 =	sld [smem:$0x3FFB];
	_ =	sdelay $0x3  }
0x92: {  	_ =	strace s18  }
0x93: {  	s3 =	sld [smem:$0x3FFC];
	_ =	sdelay $0x3  }
0x94: {  	_ =	strace s3  }
0x95: {  	s3 =	sld [smem:$0x3FFD];
	_ =	sdelay $0x3  }
0x96: {  	_ =	strace s3  }
0x97: {  	_ =	strace $0x8FFFFFFF  }
0x98: {  	s19 =	sld [smem:$0x3FDB];
	_ =	sdelay $0x1  }
0x99: {  	s4 =	simm.s32 $_scs_section_size  }
0x9a: {  	s5 =	simm.s32 $_size__tile_overlayer_lowered;
	s6 =	simm.s32 $_tile_overlayer_lowered  }
0x9b: {  	s22 =	simm.s32 $0x1BFF;
	s21 =	sshll.u32 s6, $0x1;
	s3 =	sadd.s32 s4, s19  }
0x9c: {  	s7 =	simm.s32 $0x0;
	s20 =	sshll.u32 s5, $0x1;
	s5 =	sadd.s32 s21, s3  }
0x9d: {  	[timem:s7], [sflag:s22] =	dma.local [hbm:s5], s20  }
0x9e: {  	_ =	swait.ge [sflag:s22], s20  }
0x9f: {  	s4 =	ssub.s32 $0x0, s20;
	[sflag:s22] =	ssyncset.done $0x0  }
0xa0: {  	[sflag:s22] =	ssyncadd.s32 s4;
	_ =	sdelay $0x1  }
0xa1: {  	s23 =	simm.s32 $0x1B8B  }
0xa2: {  	_ =	swait.ge [sflag:s23], $0x1  }
0xa3: {  	[sflag:s23] =	ssyncset.done $0x0  }
0xa4: {  	s25 =	simm.s32 $0x1B8E;
	s24 =	sld [smem:$0x3FFE];
	[sflag:s23] =	ssyncadd.s32 $0xFFFFFFFF  }
0xa5: {  	s26 =	simm.s32 $execute0_lowered;
	[smem:$0x3FD2] =	sst s25  }
0xa6: {  	s5 =	sshll.u32 s26, $0x1;
	_ =	strace $0x80000046;
	[dreg:$0x1] =	wrdreg $0xFFFFFFFF  }
0xa7: {  	s28 =	simm.s32 $_size_execute0_lowered;
	s3 =	sadd.s32 s3, s5;
	[dreg:$0x0] =	wrdreg $0x0  }
0xa8: {  	s5 =	sshll.u32 s28, $0x1;
	[dreg:$0x2] =	wrdreg s3  }
0xa9: {  	[dreg:$0x3] =	wrdreg s5  }
0xaa: {  	[dreg:$0x4] =	wrdreg $0xC0  }
0xab: {  	_ =	task [dreg:s7], $0x5FFFF  }
0xac: {  	[dreg:$0x1] =	wrdreg $0xFFFFFFFF  }
0xad: {  	[dreg:$0x0] =	wrdreg $0x60  }
0xae: {  	[dreg:$0x2] =	wrdreg s24  }
0xaf: {  	[dreg:$0x3] =	wrdreg s2  }
0xb0: {  	[dreg:$0x4] =	wrdreg $0x9  }
0xb1: {  	_ =	task.clear_ibuf [dreg:s7], $0x5FFFF;
	_ =	strace $0x90000046  }
0xb2: {  	s29 =	simm.s32 $0x9;
	_ =	strace $0x80000048  }
0xb3: {  	_ =	swait.ge [sflag:s29], $0x1  }
0xb4: {  	[sflag:s29] =	ssyncadd.s32 $0xFFFFFFFF  }
0xb5: {  	_ =	strace $0x90000048  }
0xb6: {  	_ =	sfence  }
0xb7: {  	s30 =	sld [smem:$0x0];
	_ =	sdelay $0x2  }
0xb8: {  	s31 =	sshll.u32 s1, $0xD;
	s1 =	sshrl.u32 s1, $0x2  }
0xb9: {  	s3 =	sand.u32 $0x4000, s31;
	s1 =	sadd.s32 s1, s30  }
0xba: {  	s0 =	sor.u32 s3, s0;
	s1 =	sshll.u32 s1, $0x11  }
0xbb: {  	s0 =	sor.u32 s1, s0  }
0xbc: {  	s0 =	sadd.s32 $0x8F2B, s0  }
0xbd: {  	[sflag:s0] =	ssyncadd.remote.s32 $0x1  }
0xbe: {  	_ =	sfence.sel $0xFFFF  }
0xbf: {  	[dreg:$0x0] =	wrdreg $0xFFFFFFFF;
	(pc) =	sbr.abs _section_cstart, $3  }
0xc0: {  	[dreg:$0x1] =	wrdreg $0xFFFFFFFF  }
0xc1: {  	_ =	task.clear_ibuf [dreg:s7], $0x2FFFF;
	_ =	strace $0x9FFFFFFF  }
0xc2: {  	(tm) =	ssettm $0x7FFFFFFF  }
0xc3: {  	_ =	shalt  }
tec
execute0_lowered:
.L_overlay_start_1:
0x0: {  	(tag) =	ssettag $0x1  }
0x1: {  	s4 =	rddreg [dreg:$0x0];
	s1 =	srdreg.scid  }
0x2: {  	s0 =	stileid.u32;
	s5 =	rddreg [dreg:$0x1]  }
0x3: {  	s2 =	simm.s32 $0x0;
	s15 =	simm.s32 $0x4F00;
	s16 =	simm.s32 $0x6F00  }
0x4: {  	s17 =	simm.s32 $0x1;
	s18 =	simm.s32 $0x3;
	s19 =	simm.s32 $0x100  }
0x5: {  	s20 =	simm.s32 $0x2;
	s21 =	simm.s32 $0x4;
	s12 =	smul.u32 $0x278000, s0  }
0x6: {  	s22 =	simm.s32 $0x4E80;
	s7 =	sand.u32 $0x1, s1;
	s29 =	smul.u32 $0x9E00, s0  }
0x7: {  	s23 =	simm.s32 $0x0;
	s3 =	sshll.u32 s0, $0x1;
	s13 =	smul.u32 $0x4F00, s7  }
0x8: {  	[smem:$0x7FF] =	sst s2;
	s6 =	sor.u32 s7, s3;
	s14 =	smul.u32 $0x13C000, s7  }
0x9: {  	s1 =	rddreg [dreg:$0x2];
	_ =	strace $0x80000047;
	s8 =	smul.u32 $0x4F00, s6  }
0xa: {  	s3 =	sadd.s32 $0x3000, s4;
	s10 =	ssub.s32 $0x2, s7;
	s9 =	smul.u32 $0x13C000, s6  }
0xb: {  	s4 =	sadd.s32 $0x16A00, s4;
	s11 =	smul.u32 $0x27800, s6;
	s28 =	sshrl.u32 s10, $0x1  }
0xc: {  	s6 =	ssub.s32 s10, s28;
	s10 =	sadd.s32 s13, s29;
	s12 =	sadd.s32 s14, s12  }
0xd: {  	s14 =	simm.s32 $0x80;
	s8 =	sshrl.u32 s8, $0x3;
	s6 =	smax.u32 s6, $0x1  }
0xe: {  	s30 =	sshrl.u32 s9, $0x3;
	s11 =	sadd.s32 s4, s11;
	s13 =	sshll.u32 s10, $0x3  }
0xf: {  	s5 =	sadd.s32 s5, s8;
	s7 =	sadd.s32 s4, s30;
	s8 =	sadd.s32 $0x400, s11  }
0x10: {  	s10 =	sadd.s32 $0x27400, s11;
	s11 =	sadd.s32 $0x4000, s12;
	s31 =	sadd.s32 s4, s13  }
0x11: {  	s13 =	simm.s32 $0x5;
	s9 =	sadd.s32 $0x27000, s7;
	s12 =	sadd.s32 $0xC00, s31  }
.LBB2_1:
0x12: {  	[tilespmem:s2], [sflag:$0x5] =	stream.linear.gather [hbm4b:s5+s2], $0x4F00, $0x38;
	[tilespmem:$0x8F00] =	vst v63  }
0x13: {  	_ =	swait.ge [sflag:s13], $0x4F00  }
0x14: {  	[sflag:s13] =	ssyncset.done $0x0  }
0x15: {  	[sflag:s13] =	ssyncadd.s32 $0xFFFFB100  }
0x16: {  	[tilespmem:s15], [sflag:$0x1] =	stream.indirect.gather [hbm4b:s3+s14], $0x40, s2, s14, $0xb8;
	[tilespmem:$0x8F00] =	vst v63  }
0x17: {  	_ = 	snop  }
0x18: {  	[tilespmem:s16], [sflag:$0x2] =	stream.indirect.gather [hbm4b:s3+s14], $0x40, s14, s14, $0xb8;
	[tilespmem:$0x8F00] =	vst v63  }
0x19: {  	_ =	swait.ge [sflag:s17], $0x2000  }
0x1a: {  	[sflag:s17] =	ssyncset.done $0x0  }
0x1b: {  	[sflag:s17] =	ssyncadd.s32 $0xFFFFE000  }
0x1c: {  	[hbm4b:s7+s2] =	stream.linear.scatter [tilespmem:s15], [sflag:$0x3], $0x2000, $0x38;
	[tilespmem:$0x8F00] =	vst v63  }
0x1d: {  	_ =	swait.ge [sflag:s18], $0x2000  }
0x1e: {  	[sflag:s18] =	ssyncset.done $0x0  }
0x1f: {  	[sflag:s18] =	ssyncadd.s32 $0xFFFFE000  }
0x20: {  	[tilespmem:s15], [sflag:$0x1] =	stream.indirect.gather [hbm4b:s3+s14], $0x40, s19, s14, $0xb8;
	[tilespmem:$0x8F00] =	vst v63  }
0x21: {  	_ =	swait.ge [sflag:s20], $0x2000  }
0x22: {  	[sflag:s20] =	ssyncset.done $0x0  }
0x23: {  	[sflag:s20] =	ssyncadd.s32 $0xFFFFE000  }
0x24: {  	[hbm4b:s8+s2] =	stream.linear.scatter [tilespmem:s16], [sflag:$0x4], $0x2000, $0x38;
	[tilespmem:$0x8F00] =	vst v63  }
0x25: {  	_ =	swait.ge [sflag:s21], $0x2000  }
0x26: {  	[sflag:s21] =	ssyncset.done $0x0  }
0x27: {  	s24 =	simm.s32 $0x180;
	[sflag:s21] =	ssyncadd.s32 $0xFFFFE000  }
0x28: {  	[tilespmem:s16], [sflag:$0x2] =	stream.indirect.gather [hbm4b:s3+s14], $0x40, s24, s14, $0xb8;
	[tilespmem:$0x8F00] =	vst v63  }
0x29: {  	_ =	swait.ge [sflag:s17], $0x2000  }
0x2a: {  	s30 =	sshrl.u32 s11, $0x3;
	[sflag:s17] =	ssyncset.done $0x0  }
0x2b: {  	s24 =	sadd.s32 s4, s30;
	[sflag:s17] =	ssyncadd.s32 $0xFFFFE000  }
0x2c: {  	[hbm4b:s24+s2] =	stream.linear.scatter [tilespmem:s15], [sflag:$0x3], $0x2000, $0x38;
	[tilespmem:$0x8F00] =	vst v63  }
0x2d: {  	_ =	swait.ge [sflag:s18], $0x2000  }
0x2e: {  	[sflag:s18] =	ssyncset.done $0x0  }
0x2f: {  	s31 =	simm.s32 $0x200;
	[sflag:s18] =	ssyncadd.s32 $0xFFFFE000  }
0x30: {  	[tilespmem:s15], [sflag:$0x1] =	stream.indirect.gather [hbm4b:s3+s14], $0x40, s31, s14, $0xb8;
	[tilespmem:$0x8F00] =	vst v63  }
0x31: {  	_ =	swait.ge [sflag:s20], $0x2000  }
0x32: {  	s25 =	sadd.s32 $0x4000, s11;
	s28 =	sadd.s32 $0x0, s12;
	[sflag:s20] =	ssyncset.done $0x0  }
0x33: {  	s26 =	simm.s32 $0x300;
	s24 =	simm.s32 $0x800;
	[sflag:s20] =	ssyncadd.s32 $0xFFFFE000  }
.LBB2_2:
0x34: {  	[hbm4b:s28+s2] =	stream.linear.scatter [tilespmem:s16], [sflag:$0x4], $0x2000, $0x38;
	[tilespmem:$0x8F00] =	vst v63  }
0x35: {  	s28 =	smov.u32 s24  }
0x36: {  	p0 =	sne.s32 s24, $0x26000;
	s24 =	sadd.s32 $0x800, s24;
	_ =	swait.ge [sflag:s21], $0x2000  }
0x37: {  	[sflag:s21] =	ssyncset.done $0x0  }
0x38: {  	s29 =	sadd.s32 $0xFFFFFF80, s26;
	[sflag:s21] =	ssyncadd.s32 $0xFFFFE000  }
0x39: {  	[tilespmem:s16], [sflag:$0x2] =	stream.indirect.gather [hbm4b:s3+s14], $0x40, s29, s14, $0xb8;
	[tilespmem:$0x8F00] =	vst v63  }
0x3a: {  	_ =	swait.ge [sflag:s17], $0x2000  }
0x3b: {  	s29 =	sshrl.u32 s25, $0x3;
	[sflag:s17] =	ssyncset.done $0x0  }
0x3c: {  	s29 =	sadd.s32 s4, s29;
	[sflag:s17] =	ssyncadd.s32 $0xFFFFE000  }
0x3d: {  	[hbm4b:s29+s2] =	stream.linear.scatter [tilespmem:s15], [sflag:$0x3], $0x2000, $0x38;
	[tilespmem:$0x8F00] =	vst v63  }
0x3e: {  	_ =	swait.ge [sflag:s18], $0x2000  }
0x3f: {  	[sflag:s18] =	ssyncset.done $0x0  }
.Ltmp0:
0x40: {  	[sflag:s18] =	ssyncadd.s32 $0xFFFFE000;
	(pc) =	sbr.rel @p0 .LBB2_2-.Ltmp0, $4  }
0x41: {  	[tilespmem:s15], [sflag:$0x1] =	stream.indirect.gather [hbm4b:s3+s14], $0x40, s26, s14, $0xb8;
	[tilespmem:$0x8F00] =	vst v63  }
0x42: {  	_ =	swait.ge [sflag:s20], $0x2000  }
0x43: {  	s25 =	sadd.s32 $0x4000, s25;
	[sflag:s20] =	ssyncset.done $0x0  }
0x44: {  	s28 =	sadd.s32 s28, s12;
	s26 =	sadd.s32 $0x100, s26;
	[sflag:s20] =	ssyncadd.s32 $0xFFFFE000  }
0x45: {  	[hbm4b:s28+s2] =	stream.linear.scatter [tilespmem:s16], [sflag:$0x4], $0x2000, $0x38;
	[tilespmem:$0x8F00] =	vst v63  }
0x46: {  	_ =	swait.ge [sflag:s21], $0x2000  }
0x47: {  	[sflag:s21] =	ssyncset.done $0x0  }
0x48: {  	[sflag:s21] =	ssyncadd.s32 $0xFFFFE000  }
0x49: {  	[tilespmem:s16], [sflag:$0x2] =	stream.indirect.gather [hbm4b:s3+s14], $0x40, s22, s14, $0xb8;
	[tilespmem:$0x8F00] =	vst v63  }
0x4a: {  	_ =	swait.ge [sflag:s17], $0x2000  }
0x4b: {  	[sflag:s17] =	ssyncset.done $0x0  }
0x4c: {  	[sflag:s17] =	ssyncadd.s32 $0xFFFFE000  }
0x4d: {  	[hbm4b:s9+s2] =	stream.linear.scatter [tilespmem:s15], [sflag:$0x3], $0x2000, $0x38;
	[tilespmem:$0x8F00] =	vst v63  }
0x4e: {  	_ =	swait.ge [sflag:s20], $0x2000  }
0x4f: {  	[sflag:s20] =	ssyncset.done $0x0  }
0x50: {  	s23 =	sadd.s32 $0x1, s23;
	[sflag:s20] =	ssyncadd.s32 $0xFFFFE000  }
0x51: {  	[hbm4b:s10+s2] =	stream.linear.scatter [tilespmem:s16], [sflag:$0x4], $0x2000, $0x38;
	[tilespmem:$0x8F00] =	vst v63  }
0x52: {  	p0 =	sne.s32 s23, s6;
	_ =	swait.ge [sflag:s18], $0x2000  }
.Ltmp1:
0x53: {  	[sflag:s18] =	ssyncset.done $0x0;
	(pc) =	sbr.rel @p0 .LBB2_1-.Ltmp1, $4  }
0x54: {  	[sflag:s18] =	ssyncadd.s32 $0xFFFFE000  }
0x55: {  	_ =	swait.ge [sflag:s21], $0x2000  }
0x56: {  	[sflag:s21] =	ssyncset.done $0x0  }
0x57: {  	[sflag:s21] =	ssyncadd.s32 $0xFFFFE000  }
0x58: {  	_ =	sfence.sel $0x180000  }
0x59: {  	[bflag:$0x0] =	sbarrier.arrive $0xFFFF  }
0x5a: {  	p0 =	sne.s32 s0, $0x0;
	_ =	strace $0x90000047  }
0x5b: {  	s0 =	sadd.s32 @!p0 $0x100000, s1;
	[bflag:$0x2] =	sbarrier.arrive $0xFFFF  }
0x5c: {  	[sflag:s0] =	ssyncadd.tile.s32 @!p0 $0x1;
	_ =	shalt  }
.Lfunc_end2:
_tile_overlayer_lowered:
.L_overlay_start_2:
0x5d: {  	(tag) =	ssettag $0x2  }
0x5e: {  	s0 =	rddreg [dreg:$0x0];
	s2 =	stileid.u32  }
0x5f: {  	s1 =	rddreg [dreg:$0x1];
	p0 =	sne.s32 s2, $0x0  }
0x60: {  	s3 =	rddreg [dreg:$0x2];
	[bflag:$0x3] =	sbarrier.arrive $0xFFFF;
	s2 =	simm.s32 @!p0 $0x1C05  }
0x61: {  	[timem:s3], [sflag:s2] =	dma.local @!p0 [hbm:s0], s1  }
0x62: {  	s0 =	simm.s32 @!p0 $0x5  }
0x63: {  	_ =	swait.ge @!p0 [sflag:s0], s1  }
0x64: {  	s1 =	ssub.s32 @!p0 $0x0, s1;
	[sflag:s0] =	ssyncset.done @!p0 $0x0  }
0x65: {  	[sflag:s0] =	ssyncadd.s32 @!p0 s1  }
0x66: {  	[bflag:$0x3] =	sbarrier.arrive $0xFFFF  }
0x67: {  	_ =	shalt  }

// kernel: kernel.9.cloned.1.call-start
scs
__scs_entry_jumppad:
0x0: {  	(pc) =	sbr.rel $0x88, $3  }
0x1: {  	(tag) =	ssettag $0x0;
	lr =	simm.s32 $0x1  }
0x2: {  	[smem:$0x3F8F] =	sst lr;
	_ =	strace $0xD0000000  }
0x3: {  	_ = 	snop  }
0x4: {  	_ = 	snop  }
0x5: {  	_ = 	snop  }
0x6: {  	_ = 	snop  }
0x7: {  	_ = 	snop  }
__scs_overlays_trampoline_lowered:
0x8: {  	[smem:$0x3F9E] =	sst s0  }
0x9: {  	[smem:$0x3F9F] =	sst s1  }
0xa: {  	[smem:$0x3FA0] =	sst s2  }
0xb: {  	[smem:$0x3FA1] =	sst s3  }
0xc: {  	[smem:$0x3FA2] =	sst s4  }
0xd: {  	[smem:$0x3FA3] =	sst s5  }
0xe: {  	[smem:$0x3FA4] =	sst s6  }
0xf: {  	[smem:$0x3FA5] =	sst s7  }
0x10: {  	[smem:$0x3FA6] =	sst s8  }
0x11: {  	[smem:$0x3FA7] =	sst s9;
	s0 =	simm.s32 @!p0 $0x0  }
0x12: {  	s1 =	sld [smem:$0x3F8D];
	s0 =	simm.s32 @p0 $0x1  }
0x13: {  	[smem:$0x3FA8] =	sst s0;
	s0 =	simm.s32 @!p1 $0x0  }
0x14: {  	s2 =	sld [smem:$0x3F8C];
	s0 =	simm.s32 @p1 $0x1  }
0x15: {  	[smem:$0x3FA9] =	sst s0;
	s0 =	simm.s32 @!p2 $0x0  }
0x16: {  	s3 =	sld [smem:$0x3FDB];
	s0 =	simm.s32 @p2 $0x1  }
0x17: {  	s4 =	simm.s32 $0x1BF5;
	[smem:$0x3FAB] =	sst s0  }
0x18: {  	s0 =	sld [smem:$0x3F8E];
	_ =	swait.ge [sflag:s4], $0x0  }
0x19: {  	s7 =	sld [smem:$0x3F8F]  }
0x1a: {  	s8 =	sadd.s32 $0xFFFFE003, lr  }
0x1b: {  	s9 =	sadd.s32 $0xFFFFFEF7, lr;
	s5 =	simm.s32 $0xFFFFFFFF;
	p2 =	slt.u32 s8, $0xFFFFF086  }
0x1c: {  	p1 =	slt.u32 s9, $0xF7A;
	s5 =	simm.s32 @!p2 $0x0  }
0x1d: {  	s5 =	simm.s32 @p1 $0x1;
	p0 =	seq.s32 s7, s2  }
0x1e: {  	s7 =	smul.u32 @!p0 $0xF7A, s2;
	p2 =	seq.s32 @!p0 s5, $0x0  }
0x1f: {  	s9 =	smul.u32 $0xF7A, s1;
	s8 =	simm.s32 @!p0 $0x1BF5;
	p2 =	por !p2, p0  }
0x20: {  	[sflag:s8] =	ssyncset.s32 @!p0 $0xFFFFF086;
	s6 =	sadd.s32 @!p0 s3, s7;
	s7 =	simm.s32 @!p0 $0x108  }
0x21: {  	s3 =	sadd.s32 s3, s9;
	s6 =	sadd.s32 @!p0 $0x88, s6;
	s7 =	simm.s32 @p2 $0x1082  }
0x22: {  	[simem:s7], [sflag:s8] =	dma.local @!p0 [hbm:s6], $0xF7A  }
0x23: {  	s9 =	sor.u32 $0xD0000000, s2;
	s6 =	simm.s32 $0x108;
	_ =	swait.ge @!p0 [sflag:s8], $0x0  }
0x24: {  	s3 =	sadd.s32 $0x88, s3;
	s6 =	simm.s32 @!p1 $0x1082;
	[sflag:s4] =	ssyncset.s32 $0xFFFFF086  }
0x25: {  	[simem:s6], [sflag:s4] =	dma.local [hbm:s3], $0xF7A  }
0x26: {  	[smem:$0x3F8F] =	sst s1;
	(tag) =	ssettag s2;
	_ =	strace s9  }
0x27: {  	s1 =	sld [smem:$0x3F9F]  }
0x28: {  	s2 =	sld [smem:$0x3FA0]  }
0x29: {  	s4 =	sld [smem:$0x3FA2]  }
0x2a: {  	p0 =	seq.s32 s5, $0x0;
	s5 =	sld [smem:$0x3FA3]  }
0x2b: {  	s6 =	sld [smem:$0x3FA4]  }
0x2c: {  	s7 =	sld [smem:$0x3FA5]  }
0x2d: {  	s3 =	simm.s32 $0x108;
	s8 =	sld [smem:$0x3FA6]  }
0x2e: {  	s3 =	simm.s32 @!p0 $0x1082;
	s9 =	sld [smem:$0x3FA7]  }
0x2f: {  	lr =	sadd.s32 s0, s3;
	s0 =	sld [smem:$0x3F9E]  }
0x30: {  	s3 =	sld [smem:$0x3FA1]  }
0x31: {  	[smem:$0x3FAA] =	sst s10  }
0x32: {  	s10 =	sld [smem:$0x3FA8];
	_ =	sdelay $0x3  }
0x33: {  	p0 =	seq.s32 s10, $0x1;
	s10 =	sld [smem:$0x3FAA];
	_ =	sdelay $0x3  }
0x34: {  	[smem:$0x3FAA] =	sst s10  }
0x35: {  	s10 =	sld [smem:$0x3FA9];
	_ =	sdelay $0x3  }
0x36: {  	p1 =	seq.s32 s10, $0x1;
	s10 =	sld [smem:$0x3FAA];
	_ =	sdelay $0x3  }
0x37: {  	[smem:$0x3FAA] =	sst s10  }
0x38: {  	s10 =	sld [smem:$0x3FAB]  }
0x39: {  	_ = 	snop;
	(pc) =	sbr.ind lr, $3  }
0x3a: {  	_ = 	snop  }
0x3b: {  	_ = 	snop  }
0x3c: {  	p2 =	seq.s32 s10, $0x1;
	s10 =	sld [smem:$0x3FAA]  }
0x3d: {  	_ =	shalt  }
0x3e: {  	_ =	shalt  }
0x3f: {  	_ =	shalt  }
0x40: {  	_ =	shalt  }
0x41: {  	_ =	shalt  }
0x42: {  	_ =	shalt  }
0x43: {  	_ =	shalt  }
0x44: {  	_ =	shalt  }
0x45: {  	_ =	shalt  }
0x46: {  	_ =	shalt  }
0x47: {  	_ =	shalt  }
0x48: {  	_ =	shalt  }
0x49: {  	_ =	shalt  }
0x4a: {  	_ =	shalt  }
0x4b: {  	_ =	shalt  }
0x4c: {  	_ =	shalt  }
0x4d: {  	_ =	shalt  }
0x4e: {  	_ =	shalt  }
0x4f: {  	_ =	shalt  }
0x50: {  	_ =	shalt  }
0x51: {  	_ =	shalt  }
0x52: {  	_ =	shalt  }
0x53: {  	_ =	shalt  }
0x54: {  	_ =	shalt  }
0x55: {  	_ =	shalt  }
0x56: {  	_ =	shalt  }
0x57: {  	_ =	shalt  }
0x58: {  	_ =	shalt  }
0x59: {  	_ =	shalt  }
0x5a: {  	_ =	shalt  }
0x5b: {  	_ =	shalt  }
0x5c: {  	_ =	shalt  }
0x5d: {  	_ =	shalt  }
0x5e: {  	_ =	shalt  }
0x5f: {  	_ =	shalt  }
0x60: {  	_ =	shalt  }
0x61: {  	_ =	shalt  }
0x62: {  	_ =	shalt  }
0x63: {  	_ =	shalt  }
0x64: {  	_ =	shalt  }
0x65: {  	_ =	shalt  }
0x66: {  	_ =	shalt  }
0x67: {  	_ =	shalt  }
0x68: {  	_ =	shalt  }
0x69: {  	_ =	shalt  }
0x6a: {  	_ =	shalt  }
0x6b: {  	_ =	shalt  }
0x6c: {  	_ =	shalt  }
0x6d: {  	_ =	shalt  }
0x6e: {  	_ =	shalt  }
0x6f: {  	_ =	shalt  }
0x70: {  	_ =	shalt  }
0x71: {  	_ =	shalt  }
0x72: {  	_ =	shalt  }
0x73: {  	_ =	shalt  }
0x74: {  	_ =	shalt  }
0x75: {  	_ =	shalt  }
0x76: {  	_ =	shalt  }
0x77: {  	_ =	shalt  }
0x78: {  	_ =	shalt  }
0x79: {  	_ =	shalt  }
0x7a: {  	_ =	shalt  }
0x7b: {  	_ =	shalt  }
0x7c: {  	_ =	shalt  }
0x7d: {  	_ =	shalt  }
0x7e: {  	_ =	shalt  }
0x7f: {  	_ =	shalt  }
0x80: {  	_ =	shalt  }
0x81: {  	_ =	shalt  }
0x82: {  	_ =	shalt  }
0x83: {  	_ =	shalt  }
0x84: {  	_ =	shalt  }
0x85: {  	_ =	shalt  }
0x86: {  	_ =	shalt  }
0x87: {  	_ =	shalt  }
.Lfunc_end0:
.L_simem_size_0:
called_computation.1_lowered:
.L_overlay_start_0:
0x88: {  	s2 =	sld [smem:$0x3FD9]  }
0x89: {  	s3 =	sld [smem:$0x3FFE];
	_ =	sdelay $0x1  }
0x8a: {  	s1 =	srdreg.scid  }
0x8b: {  	s0 =	sand.u32 $0x1, s1  }
0x8c: {  	s17 =	sshll.u32 s0, $0xA;
	s2 =	sadd.s32 s3, s2  }
0x8d: {  	s2 =	sadd.s32 s2, s17  }
0x8e: {  	[smem:$0x3FB6] =	sst s2  }
0x8f: {  	_ = 	snop  }
0x90: {  	s2 =	sld [smem:$0x3FD0];
	(tm) =	ssettm $0x1  }
0x91: {  	s18 =	sld [smem:$0x3FFB];
	_ =	sdelay $0x3  }
0x92: {  	_ =	strace s18  }
0x93: {  	s3 =	sld [smem:$0x3FFC];
	_ =	sdelay $0x3  }
0x94: {  	_ =	strace s3  }
0x95: {  	s3 =	sld [smem:$0x3FFD];
	_ =	sdelay $0x3  }
0x96: {  	_ =	strace s3  }
0x97: {  	_ =	strace $0x8FFFFFFF  }
0x98: {  	s19 =	sld [smem:$0x3FDB];
	_ =	sdelay $0x1  }
0x99: {  	s4 =	simm.s32 $_scs_section_size  }
0x9a: {  	s5 =	simm.s32 $_size__tile_overlayer_lowered;
	s6 =	simm.s32 $_tile_overlayer_lowered  }
0x9b: {  	s22 =	simm.s32 $0x1BFF;
	s21 =	sshll.u32 s6, $0x1;
	s3 =	sadd.s32 s4, s19  }
0x9c: {  	s7 =	simm.s32 $0x0;
	s20 =	sshll.u32 s5, $0x1;
	s5 =	sadd.s32 s21, s3  }
0x9d: {  	[timem:s7], [sflag:s22] =	dma.local [hbm:s5], s20  }
0x9e: {  	_ =	swait.ge [sflag:s22], s20  }
0x9f: {  	s4 =	ssub.s32 $0x0, s20;
	[sflag:s22] =	ssyncset.done $0x0  }
0xa0: {  	[sflag:s22] =	ssyncadd.s32 s4;
	_ =	sdelay $0x1  }
0xa1: {  	s23 =	simm.s32 $0x1B8B  }
0xa2: {  	_ =	swait.ge [sflag:s23], $0x1  }
0xa3: {  	[sflag:s23] =	ssyncset.done $0x0  }
0xa4: {  	s25 =	simm.s32 $0x1B8E;
	s24 =	sld [smem:$0x3FFE];
	[sflag:s23] =	ssyncadd.s32 $0xFFFFFFFF  }
0xa5: {  	s26 =	simm.s32 $execute0_lowered;
	[smem:$0x3FD2] =	sst s25  }
0xa6: {  	s5 =	sshll.u32 s26, $0x1;
	_ =	strace $0x80000049;
	[dreg:$0x1] =	wrdreg $0xFFFFFFFF  }
0xa7: {  	s28 =	simm.s32 $_size_execute0_lowered;
	s3 =	sadd.s32 s3, s5;
	[dreg:$0x0] =	wrdreg $0x0  }
0xa8: {  	s5 =	sshll.u32 s28, $0x1;
	[dreg:$0x2] =	wrdreg s3  }
0xa9: {  	[dreg:$0x3] =	wrdreg s5  }
0xaa: {  	[dreg:$0x4] =	wrdreg $0xC0  }
0xab: {  	_ =	task [dreg:s7], $0x5FFFF  }
0xac: {  	[dreg:$0x1] =	wrdreg $0xFFFFFFFF  }
0xad: {  	[dreg:$0x0] =	wrdreg $0x60  }
0xae: {  	[dreg:$0x2] =	wrdreg s24  }
0xaf: {  	[dreg:$0x3] =	wrdreg s2  }
0xb0: {  	[dreg:$0x4] =	wrdreg $0x77800  }
0xb1: {  	[dreg:$0x5] =	wrdreg $0x9  }
0xb2: {  	_ =	task.clear_ibuf [dreg:s7], $0x6FFFF;
	_ =	strace $0x90000049  }
0xb3: {  	s29 =	simm.s32 $0x9;
	_ =	strace $0x8000004B  }
0xb4: {  	_ =	swait.ge [sflag:s29], $0x1  }
0xb5: {  	[sflag:s29] =	ssyncadd.s32 $0xFFFFFFFF  }
0xb6: {  	_ =	strace $0x9000004B  }
0xb7: {  	_ =	sfence  }
0xb8: {  	s30 =	sld [smem:$0x0];
	_ =	sdelay $0x2  }
0xb9: {  	s31 =	sshll.u32 s1, $0xD;
	s1 =	sshrl.u32 s1, $0x2  }
0xba: {  	s3 =	sand.u32 $0x4000, s31;
	s1 =	sadd.s32 s1, s30  }
0xbb: {  	s0 =	sor.u32 s3, s0;
	s1 =	sshll.u32 s1, $0x11  }
0xbc: {  	s0 =	sor.u32 s1, s0  }
0xbd: {  	s0 =	sadd.s32 $0x8F2B, s0  }
0xbe: {  	[sflag:s0] =	ssyncadd.remote.s32 $0x1  }
0xbf: {  	_ =	sfence.sel $0xFFFF  }
0xc0: {  	[dreg:$0x0] =	wrdreg $0xFFFFFFFF;
	(pc) =	sbr.abs _section_cstart, $3  }
0xc1: {  	[dreg:$0x1] =	wrdreg $0xFFFFFFFF  }
0xc2: {  	_ =	task.clear_ibuf [dreg:s7], $0x2FFFF;
	_ =	strace $0x9FFFFFFF  }
0xc3: {  	(tm) =	ssettm $0x7FFFFFFF  }
tec
execute0_lowered:
.L_overlay_start_1:
0x0: {  	(tag) =	ssettag $0x1  }
0x1: {  	s5 =	rddreg [dreg:$0x0]  }
0x2: {  	s2 =	rddreg [dreg:$0x1]  }
0x3: {  	s0 =	srdreg.scid;
	s3 =	rddreg [dreg:$0x2]  }
0x4: {  	s1 =	rddreg [dreg:$0x3];
	s6 =	sand.u32 $0x1, s0  }
0x5: {  	s4 =	simm.s32 $0x0;
	s0 =	stileid.u32;
	s7 =	smul.u32 $0x27100, s6  }
0x6: {  	s15 =	simm.s32 $0x1;
	s16 =	simm.s32 $0x50;
	s8 =	smul.u32 $0x2710, s0  }
0x7: {  	s17 =	simm.s32 $0x2;
	s18 =	simm.s32 $0x26C0;
	s9 =	smul.u32 $0x140000, s6  }
0x8: {  	[smem:$0x7FF] =	sst s4;
	s25 =	sadd.s32 $0x781800, s5;
	s10 =	smul.u32 $0x14000, s0  }
0x9: {  	s19 =	simm.s32 $0x0;
	_ =	strace $0x8000004A;
	s12 =	smul.u32 $0x50000, s0  }
0xa: {  	s26 =	ssub.s32 $0x2, s6;
	s6 =	smul.u32 $0x271000, s6;
	s30 =	sshll.u32 s0, $0x6  }
0xb: {  	s13 =	smul.u32 $0x27100, s0;
	s28 =	sshrl.u32 s26, $0x1;
	s7 =	sadd.s32 s8, s7  }
0xc: {  	s9 =	sadd.s32 s10, s9;
	s10 =	ssub.s32 s26, s28;
	s29 =	sshrl.u32 s12, $0x2  }
0xd: {  	s14 =	sadd.s32 s6, s25;
	s11 =	sshrl.u32 s7, $0x3;
	s9 =	sshrl.u32 s9, $0x3  }
0xe: {  	s12 =	sadd.s32 s29, s3;
	s7 =	sshll.u32 s7, $0x4;
	s31 =	sadd.s32 s13, s14  }
0xf: {  	s13 =	simm.s32 $0x2780;
	s14 =	simm.s32 $0x4F80;
	s11 =	sadd.s32 s11, s5  }
0x10: {  	s9 =	sadd.s32 s9, s5;
	s5 =	sor.u32 $0x1C03, s30;
	s7 =	sadd.s32 s25, s7  }
0x11: {  	s6 =	sadd.s32 $0x777A00, s11;
	s8 =	sadd.s32 $0x3000, s9;
	s9 =	smax.u32 s10, $0x1  }
0x12: {  	s10 =	sadd.s32 $0xA00, s31;
	s11 =	sshrl.u32 s12, $0x3;
	s12 =	simm.s32 $0x3  }
.LBB2_1:
0x13: {  	[spmem:s11], [sflag:s5] =	dma.local [hbm:s2], $0x2800  }
0x14: {  	_ =	swait.ge [sflag:s12], $0x2800  }
0x15: {  	[sflag:s12] =	ssyncset.done $0x0  }
0x16: {  	[sflag:s12] =	ssyncadd.s32 $0xFFFFD800  }
0x17: {  	[tilespmem:s4], [sflag:$0x3] =	stream.linear.gather [hbm4b:s6+s4], $0x2710, $0x38;
	[tilespmem:$0x1B780] =	vst v63  }
0x18: {  	_ =	swait.ge [sflag:s12], $0x2710  }
0x19: {  	[sflag:s12] =	ssyncset.done $0x0  }
0x1a: {  	[sflag:s12] =	ssyncadd.s32 $0xFFFFD8F0  }
0x1b: {  	[bflag:$0x0] =	sbarrier.arrive $0xFFFF  }
0x1c: {  	[tilespmem:s13], [sflag:$0x1] =	stream.linear.gather [hbm4b:s7+s4], $0x2800, $0x38;
	[tilespmem:$0x1B780] =	vst v63  }
0x1d: {  	s20 =	sadd.s32 $0xFFFFFB00, s10  }
0x1e: {  	[tilespmem:s14], [sflag:$0x2] =	stream.linear.gather [hbm4b:s20+s4], $0x2800, $0x38;
	[tilespmem:$0x1B780] =	vst v63  }
0x1f: {  	_ =	swait.ge [sflag:s15], $0x2800  }
0x20: {  	[sflag:s15] =	ssyncset.done $0x0  }
0x21: {  	s30 =	simm.s32 $0x0;
	[sflag:s15] =	ssyncadd.s32 $0xFFFFD800  }
0x22: {  	[spmem:s3] =	stream.indirect.scatter.add.f32 [tilespmem:s13], [sflag:$0x3], $0x80, s30, s16, $0xb8;
	[tilespmem:$0x1B780] =	vst v63  }
0x23: {  	_ =	swait.ge [sflag:s12], $0x2800  }
0x24: {  	[sflag:s12] =	ssyncset.done $0x0  }
0x25: {  	[sflag:s12] =	ssyncadd.s32 $0xFFFFD800  }
0x26: {  	[tilespmem:s13], [sflag:$0x1] =	stream.linear.gather [hbm4b:s10+s4], $0x2800, $0x38;
	[tilespmem:$0x1B780] =	vst v63  }
0x27: {  	_ =	swait.ge [sflag:s17], $0x2800  }
0x28: {  	[sflag:s17] =	ssyncset.done $0x0  }
0x29: {  	s31 =	simm.s32 $0x50;
	[sflag:s17] =	ssyncadd.s32 $0xFFFFD800  }
0x2a: {  	[spmem:s3] =	stream.indirect.scatter.add.f32 [tilespmem:s14], [sflag:$0x3], $0x80, s31, s16, $0xb8;
	[tilespmem:$0x1B780] =	vst v63  }
0x2b: {  	s21 =	simm.s32 $0x280;
	_ =	swait.ge [sflag:s12], $0x2800  }
0x2c: {  	s22 =	simm.s32 $0x500;
	s20 =	sadd.s32 $0xA00, s10;
	[sflag:s12] =	ssyncset.done $0x0  }
.LBB2_2:
0x2d: {  	p0 =	sne.s32 s22, $0x9880;
	s23 =	sadd.s32 $0xFFFFFB00, s20;
	[sflag:s12] =	ssyncadd.s32 $0xFFFFD800  }
0x2e: {  	[tilespmem:s14], [sflag:$0x2] =	stream.linear.gather [hbm4b:s23+s4], $0x2800, $0x38;
	[tilespmem:$0x1B780] =	vst v63  }
0x2f: {  	s23 =	smov.u32 s22;
	s22 =	sadd.s32 $0x280, s22;
	_ =	swait.ge [sflag:s15], $0x2800  }
0x30: {  	[sflag:s15] =	ssyncset.done $0x0  }
0x31: {  	s24 =	sshra.s32 s21, $0x2;
	s21 =	smov.u32 s23;
	[sflag:s15] =	ssyncadd.s32 $0xFFFFD800  }
0x32: {  	[spmem:s3] =	stream.indirect.scatter.add.f32 [tilespmem:s13], [sflag:$0x3], $0x80, s24, s16, $0xb8;
	[tilespmem:$0x1B780] =	vst v63  }
0x33: {  	_ =	swait.ge [sflag:s12], $0x2800  }
0x34: {  	[sflag:s12] =	ssyncset.done $0x0  }
0x35: {  	[sflag:s12] =	ssyncadd.s32 $0xFFFFD800  }
0x36: {  	[tilespmem:s13], [sflag:$0x1] =	stream.linear.gather [hbm4b:s20+s4], $0x2800, $0x38;
	[tilespmem:$0x1B780] =	vst v63  }
0x37: {  	_ =	swait.ge [sflag:s17], $0x2800  }
.Ltmp0:
0x38: {  	[sflag:s17] =	ssyncset.done $0x0;
	(pc) =	sbr.rel @p0 .LBB2_2-.Ltmp0, $4  }
0x39: {  	s23 =	sadd.s32 $0x50, s24;
	[sflag:s17] =	ssyncadd.s32 $0xFFFFD800  }
0x3a: {  	[spmem:s3] =	stream.indirect.scatter.add.f32 [tilespmem:s14], [sflag:$0x3], $0x80, s23, s16, $0xb8;
	[tilespmem:$0x1B780] =	vst v63  }
0x3b: {  	_ =	swait.ge [sflag:s12], $0x2800  }
0x3c: {  	s20 =	sadd.s32 $0xA00, s20;
	[sflag:s12] =	ssyncset.done $0x0  }
0x3d: {  	s22 =	sadd.s32 $0xFFFFFB00, s20;
	[sflag:s12] =	ssyncadd.s32 $0xFFFFD800  }
0x3e: {  	[tilespmem:s14], [sflag:$0x2] =	stream.linear.gather [hbm4b:s22+s4], $0x2800, $0x38;
	[tilespmem:$0x1B780] =	vst v63  }
0x3f: {  	_ =	swait.ge [sflag:s15], $0x2800  }
0x40: {  	[sflag:s15] =	ssyncset.done $0x0  }
0x41: {  	s21 =	sshra.s32 s21, $0x2;
	[sflag:s15] =	ssyncadd.s32 $0xFFFFD800  }
0x42: {  	[spmem:s3] =	stream.indirect.scatter.add.f32 [tilespmem:s13], [sflag:$0x3], $0x80, s21, s16, $0xb8;
	[tilespmem:$0x1B780] =	vst v63  }
0x43: {  	_ =	swait.ge [sflag:s12], $0x2800  }
0x44: {  	[sflag:s12] =	ssyncset.done $0x0  }
0x45: {  	[sflag:s12] =	ssyncadd.s32 $0xFFFFD800  }
0x46: {  	[tilespmem:s13], [sflag:$0x1] =	stream.linear.gather [hbm4b:s20+s4], $0x2800, $0x38;
	[tilespmem:$0x1B780] =	vst v63  }
0x47: {  	_ =	swait.ge [sflag:s17], $0x2800  }
0x48: {  	[sflag:s17] =	ssyncset.done $0x0  }
0x49: {  	s31 =	sadd.s32 $0x50, s21;
	[sflag:s17] =	ssyncadd.s32 $0xFFFFD800  }
0x4a: {  	[spmem:s3] =	stream.indirect.scatter.add.f32 [tilespmem:s14], [sflag:$0x3], $0x80, s31, s16, $0xb8;
	[tilespmem:$0x1B780] =	vst v63  }
0x4b: {  	_ =	swait.ge [sflag:s12], $0x2800  }
0x4c: {  	[sflag:s12] =	ssyncset.done $0x0  }
0x4d: {  	[sflag:s12] =	ssyncadd.s32 $0xFFFFD800  }
0x4e: {  	_ =	swait.ge [sflag:s15], $0x2800  }
0x4f: {  	[sflag:s15] =	ssyncset.done $0x0  }
0x50: {  	[sflag:s15] =	ssyncadd.s32 $0xFFFFD800  }
0x51: {  	[spmem:s3] =	stream.indirect.scatter.add.f32 [tilespmem:s13], [sflag:$0x3], $0x80, s18, s16, $0xb8;
	[tilespmem:$0x1B780] =	vst v63  }
0x52: {  	_ =	swait.ge [sflag:s12], $0x2800  }
0x53: {  	s19 =	sadd.s32 $0x1, s19;
	[sflag:s12] =	ssyncset.done $0x0  }
0x54: {  	p0 =	sne.s32 s19, s9;
	[sflag:s12] =	ssyncadd.s32 $0xFFFFD800  }
.Ltmp1:
0x55: {  	[bflag:$0x0] =	sbarrier.arrive $0xFFFF;
	(pc) =	sbr.rel @p0 .LBB2_1-.Ltmp1, $4  }
0x56: {  	[hbm:s8], [sflag:s5] =	dma.local [spmem:s11], $0x2800  }
0x57: {  	_ =	swait.ge [sflag:s12], $0x2800  }
0x58: {  	[sflag:s12] =	ssyncset.done $0x0  }
0x59: {  	[sflag:s12] =	ssyncadd.s32 $0xFFFFD800  }
0x5a: {  	_ =	sfence.sel $0x180000  }
0x5b: {  	[bflag:$0x0] =	sbarrier.arrive $0xFFFF  }
0x5c: {  	p0 =	sne.s32 s0, $0x0;
	_ =	strace $0x9000004A  }
0x5d: {  	s0 =	sadd.s32 @!p0 $0x100000, s1;
	[bflag:$0x2] =	sbarrier.arrive $0xFFFF  }
0x5e: {  	[sflag:s0] =	ssyncadd.tile.s32 @!p0 $0x1;
	_ =	shalt  }
.Lfunc_end2:
_tile_overlayer_lowered:
.L_overlay_start_2:
0x5f: {  	(tag) =	ssettag $0x2  }
0x60: {  	s0 =	rddreg [dreg:$0x0];
	s2 =	stileid.u32  }
0x61: {  	s1 =	rddreg [dreg:$0x1];
	p0 =	sne.s32 s2, $0x0  }
0x62: {  	s3 =	rddreg [dreg:$0x2];
	[bflag:$0x3] =	sbarrier.arrive $0xFFFF;
	s2 =	simm.s32 @!p0 $0x1C03  }
0x63: {  	[timem:s3], [sflag:s2] =	dma.local @!p0 [hbm:s0], s1  }
0x64: {  	s0 =	simm.s32 @!p0 $0x3  }
0x65: {  	_ =	swait.ge @!p0 [sflag:s0], s1  }
0x66: {  	s1 =	ssub.s32 @!p0 $0x0, s1;
	[sflag:s0] =	ssyncset.done @!p0 $0x0  }
0x67: {  	[sflag:s0] =	ssyncadd.s32 @!p0 s1  }
0x68: {  	[bflag:$0x3] =	sbarrier.arrive $0xFFFF  }
0x69: {  	_ =	shalt  }

</sc_bundles>
